<compile_context>
chip_gen: v7x
topology: tpu7x:2x2x1
jax: 0.10.2.dev20260603
libtpu: 0.0.44.dev20260713+nightly
codegen_flags: <defaults>
</compile_context>

<pallas_src>
import functools

import jax
import jax.numpy as jnp
from jax import lax
from jax.experimental import pallas as pl
from jax.experimental.pallas import tpu as pltpu
from jax.experimental.pallas import tpu_sc as plsc

_NUM_CLASSES = 1000000
_EMBED_DIM = 64
_BATCH = 16384
_HIST = 50
_TOTAL = _BATCH * _HIST

_info = plsc.get_sparse_core_info()
_NC = _info.num_cores
_NS = _info.num_subcores
_NW = _NC * _NS
_B_PER_W = _TOTAL // _NW
_CHUNK = 128
_NCHUNKS = _B_PER_W // _CHUNK
_GROUP = 5
_GCHUNK = _GROUP * _CHUNK
_NGROUPS = _NCHUNKS // _GROUP

_mesh = plsc.VectorSubcoreMesh(core_axis_name="c", subcore_axis_name="s")


@functools.partial(
    pl.kernel,
    out_type=jax.ShapeDtypeStruct((_TOTAL, _EMBED_DIM), jnp.float32),
    mesh=_mesh,
    scratch_types=[
        pltpu.VMEM((_NCHUNKS, _CHUNK), jnp.int32),
        pltpu.VMEM((2, _GCHUNK, _EMBED_DIM), jnp.float32),
        pltpu.SemaphoreType.DMA,
        pltpu.SemaphoreType.DMA,
    ],
    compiler_params=pltpu.CompilerParams(use_tc_tiling_on_sc=False),
)
def _emb_lookup(idx_hbm, table_hbm, out_hbm, idx_v, rows_v, gsem, ssem):
    wid = lax.axis_index("s") * _NC + lax.axis_index("c")
    base = wid * _B_PER_W
    pltpu.sync_copy(idx_hbm.at[wid], idx_v)

    def fire_gathers(g, p):
        for b in range(_GROUP):
            pltpu.async_copy(
                table_hbm.at[idx_v.at[g * _GROUP + b]],
                rows_v.at[p, pl.ds(b * _CHUNK, _CHUNK)],
                gsem,
            )

    def wait_gathers(g, p):
        for b in range(_GROUP):
            pltpu.make_async_copy(
                table_hbm.at[idx_v.at[g * _GROUP + b]],
                rows_v.at[p, pl.ds(b * _CHUNK, _CHUNK)],
                gsem,
            ).wait()

    def fire_store(g, p):
        pltpu.async_copy(
            rows_v.at[p], out_hbm.at[pl.ds(base + g * _GCHUNK, _GCHUNK)], ssem
        )

    def wait_store(g, p):
        pltpu.make_async_copy(
            rows_v.at[p], out_hbm.at[pl.ds(base + g * _GCHUNK, _GCHUNK)], ssem
        ).wait()

    fire_gathers(0, 0)
    wait_gathers(0, 0)
    fire_store(0, 0)
    fire_gathers(1, 1)

    @pl.loop(0, (_NGROUPS - 2) // 2)
    def _steady(t):
        g = 2 * t + 1
        wait_gathers(g, 1)
        fire_store(g, 1)
        wait_store(g - 1, 0)
        fire_gathers(g + 1, 0)
        wait_gathers(g + 1, 0)
        fire_store(g + 1, 0)
        wait_store(g, 1)
        fire_gathers(g + 2, 1)

    g_last = _NGROUPS - 1
    wait_gathers(g_last, 1)
    fire_store(g_last, 1)
    wait_store(g_last - 1, 0)
    wait_store(g_last, 1)


def kernel(x, table):
    idx = x.reshape(_NW, _NCHUNKS, _CHUNK).astype(jnp.int32)
    one = (idx[0, 0, 0] * 0 + 1).astype(jnp.float32)
    out = _emb_lookup(idx, table * one)
    return out.reshape(_BATCH, _HIST, _EMBED_DIM) * one

# --- scband reference (transcript-rebuilt; emitter-appended) ---
"""Pipeline reference for scband-embedding-54520314855673 (READ-ONLY COPY).

The authoritative reference and input builder live on the scoring server;
editing this copy changes nothing except your own understanding.
"""

import jax, jax.numpy as jnp
import numpy as np

NUM_CLASSES = 1000000
EMBED_DIM = 64
BATCH = 16384
HIST = 50

def setup_inputs(seed: int = 0) -> dict:
    key = jax.random.key(seed)
    k1, k2 = jax.random.split(key)
    x = jax.random.randint(k1, (BATCH, HIST), 0, NUM_CLASSES, dtype=jnp.int64)
    # nn.Embedding default init: N(0, 1)
    table = jax.random.normal(k2, (NUM_CLASSES, EMBED_DIM), dtype=jnp.float32)
    return {"x": x, "table": table}

def reference(x, table):
    idx = x.astype(jnp.int64)
    return jnp.take(table, idx, axis=0)

if __name__ == "__main__":
    import jax
    _d = setup_inputs()
    print(jax.jit(kernel)(*tuple(_d.values())))

</pallas_src>

<mosaic_0001>
#map = affine_map<(d0, d1) -> (0, 0, 0)>
#map1 = affine_map<(d0, d1) -> (0, 0)>
module attributes {stable_mosaic.version = 14 : i64} {
  func.func @_emb_lookup(%arg0: i32, %arg1: i32, %arg2: memref<32x200x128xi32, #tpu.memory_space<hbm>>, %arg3: memref<1000000x64xf32, #tpu.memory_space<hbm>>, %arg4: memref<819200x64xf32, #tpu.memory_space<hbm>>, %arg5: memref<200x128xi32, #tpu.memory_space<vmem>>, %arg6: memref<2x640x64xf32, #tpu.memory_space<vmem>>, %arg7: memref<!tpu.dma_semaphore, #tpu.memory_space<semaphore_mem>>, %arg8: memref<!tpu.dma_semaphore, #tpu.memory_space<semaphore_mem>>) attributes {dimension_semantics = [#tpu.dimension_semantics<core_parallel>, #tpu.dimension_semantics<subcore_parallel>], iteration_bounds = array<i64: 2, 16>, scalar_prefetch = 0 : i64, scratch_operands = 4 : i64, tpu.core_type = #tpu.core_type<sc_vector_subcore>, window_params = [{transform_indices = #map}, {transform_indices = #map1}, {transform_indices = #map1}]} {
    %mul3A = arith.constant 2 : i32
    %mul3A_0 = arith.muli %arg1, %mul3A : i32
    %add3A = arith.addi %mul3A_0, %arg0 : i32
    %mul3A_1 = arith.constant 25600 : i32
    %mul3A_2 = arith.muli %add3A, %mul3A_1 : i32
    "tpu.region"() ({
      %run_scoped3A = tpu.sem_alloc : memref<!tpu.dma_semaphore, #tpu.memory_space<semaphore_mem>>
      %dma_start3A_305 = arith.constant 0 : i32
      %dma_start3A_306 = arith.constant 0 : i32
      %dma_start3A_307 = tpu.memref_slice %arg2[%add3A, %dma_start3A_305, %dma_start3A_306] : memref<32x200x128xi32, #tpu.memory_space<hbm>> -> memref<1x200x128xi32, #tpu.memory_space<hbm>>
      %dma_start3A_308 = tpu.memref_squeeze %dma_start3A_307 : memref<1x200x128xi32, #tpu.memory_space<hbm>> -> memref<200x128xi32, #tpu.memory_space<hbm>>
      %dma_start3A_309 = arith.constant 0 : i32
      %dma_start3A_310 = arith.constant 0 : i32
      %dma_start3A_311 = tpu.memref_slice %arg2[%add3A, %dma_start3A_309, %dma_start3A_310] : memref<32x200x128xi32, #tpu.memory_space<hbm>> -> memref<1x200x128xi32, #tpu.memory_space<hbm>>
      %dma_start3A_312 = tpu.memref_squeeze %dma_start3A_311 : memref<1x200x128xi32, #tpu.memory_space<hbm>> -> memref<200x128xi32, #tpu.memory_space<hbm>>
      tpu.enqueue_dma source(%dma_start3A_312 : memref<200x128xi32, #tpu.memory_space<hbm>>) target(%arg5 : memref<200x128xi32, #tpu.memory_space<vmem>>) target_semaphore(%run_scoped3A : memref<!tpu.dma_semaphore, #tpu.memory_space<semaphore_mem>>)
      %dma_wait3A_313 = arith.constant 0 : i32
      %dma_wait3A_314 = arith.constant 0 : i32
      %dma_wait3A_315 = tpu.memref_slice %arg2[%add3A, %dma_wait3A_313, %dma_wait3A_314] : memref<32x200x128xi32, #tpu.memory_space<hbm>> -> memref<1x200x128xi32, #tpu.memory_space<hbm>>
      %dma_wait3A_316 = tpu.memref_squeeze %dma_wait3A_315 : memref<1x200x128xi32, #tpu.memory_space<hbm>> -> memref<200x128xi32, #tpu.memory_space<hbm>>
      %dma_wait3A_317 = arith.constant 0 : i32
      %dma_wait3A_318 = arith.constant 0 : i32
      %dma_wait3A_319 = tpu.memref_slice %arg2[%add3A, %dma_wait3A_317, %dma_wait3A_318] : memref<32x200x128xi32, #tpu.memory_space<hbm>> -> memref<1x200x128xi32, #tpu.memory_space<hbm>>
      %dma_wait3A_320 = tpu.memref_squeeze %dma_wait3A_319 : memref<1x200x128xi32, #tpu.memory_space<hbm>> -> memref<200x128xi32, #tpu.memory_space<hbm>>
      tpu.wait_dma2 semaphore(%run_scoped3A : memref<!tpu.dma_semaphore, #tpu.memory_space<semaphore_mem>>) src(%dma_wait3A_320 : memref<200x128xi32, #tpu.memory_space<hbm>>) dst(%arg5 : memref<200x128xi32, #tpu.memory_space<vmem>>)
      tpu.yield
    }) : () -> ()
    %dma_start3A = arith.constant 0 : i32
    %dma_start3A_3 = arith.constant 0 : i32
    %dma_start3A_4 = arith.constant 0 : i32
    %dma_start3A_5 = arith.constant 0 : i32
    %dma_start3A_6 = tpu.memref_slice %arg6[%dma_start3A_3, %dma_start3A_4, %dma_start3A_5] : memref<2x640x64xf32, #tpu.memory_space<vmem>> -> memref<1x128x64xf32, #tpu.memory_space<vmem>>
    %dma_start3A_7 = tpu.memref_squeeze %dma_start3A_6 : memref<1x128x64xf32, #tpu.memory_space<vmem>> -> memref<128x64xf32, #tpu.memory_space<vmem>>
    %dma_start3A_8 = arith.constant 0 : i32
    %dma_start3A_9 = tpu.memref_slice %arg5[%dma_start3A, %dma_start3A_8] : memref<200x128xi32, #tpu.memory_space<vmem>> -> memref<1x128xi32, #tpu.memory_space<vmem>>
    %dma_start3A_10 = tpu.memref_squeeze %dma_start3A_9 : memref<1x128xi32, #tpu.memory_space<vmem>> -> memref<128xi32, #tpu.memory_space<vmem>>
    %dma_start3A_11 = arith.constant 0 : i32
    %dma_start3A_12 = arith.constant 0 : i32
    %dma_start3A_13 = tpu.memref_slice %arg3[%dma_start3A_11, %dma_start3A_12] : memref<1000000x64xf32, #tpu.memory_space<hbm>> -> memref<1000000x64xf32, #tpu.memory_space<hbm>>
    tpu.enqueue_indirect_dma source(%dma_start3A_13 : memref<1000000x64xf32, #tpu.memory_space<hbm>>) target(%dma_start3A_7 : memref<128x64xf32, #tpu.memory_space<vmem>>) offsets(%dma_start3A_10 : memref<128xi32, #tpu.memory_space<vmem>>) semaphore(%arg7 : memref<!tpu.dma_semaphore, #tpu.memory_space<semaphore_mem>>)
    %dma_start3A_14 = arith.constant 1 : i32
    %dma_start3A_15 = arith.constant 0 : i32
    %dma_start3A_16 = arith.constant 128 : i32
    %dma_start3A_17 = arith.constant 0 : i32
    %dma_start3A_18 = tpu.memref_slice %arg6[%dma_start3A_15, %dma_start3A_16, %dma_start3A_17] : memref<2x640x64xf32, #tpu.memory_space<vmem>> -> memref<1x128x64xf32, #tpu.memory_space<vmem>>
    %dma_start3A_19 = tpu.memref_squeeze %dma_start3A_18 : memref<1x128x64xf32, #tpu.memory_space<vmem>> -> memref<128x64xf32, #tpu.memory_space<vmem>>
    %dma_start3A_20 = arith.constant 0 : i32
    %dma_start3A_21 = tpu.memref_slice %arg5[%dma_start3A_14, %dma_start3A_20] : memref<200x128xi32, #tpu.memory_space<vmem>> -> memref<1x128xi32, #tpu.memory_space<vmem>>
    %dma_start3A_22 = tpu.memref_squeeze %dma_start3A_21 : memref<1x128xi32, #tpu.memory_space<vmem>> -> memref<128xi32, #tpu.memory_space<vmem>>
    %dma_start3A_23 = arith.constant 0 : i32
    %dma_start3A_24 = arith.constant 0 : i32
    %dma_start3A_25 = tpu.memref_slice %arg3[%dma_start3A_23, %dma_start3A_24] : memref<1000000x64xf32, #tpu.memory_space<hbm>> -> memref<1000000x64xf32, #tpu.memory_space<hbm>>
    tpu.enqueue_indirect_dma source(%dma_start3A_25 : memref<1000000x64xf32, #tpu.memory_space<hbm>>) target(%dma_start3A_19 : memref<128x64xf32, #tpu.memory_space<vmem>>) offsets(%dma_start3A_22 : memref<128xi32, #tpu.memory_space<vmem>>) semaphore(%arg7 : memref<!tpu.dma_semaphore, #tpu.memory_space<semaphore_mem>>)
    %dma_start3A_26 = arith.constant 2 : i32
    %dma_start3A_27 = arith.constant 0 : i32
    %dma_start3A_28 = arith.constant 256 : i32
    %dma_start3A_29 = arith.constant 0 : i32
    %dma_start3A_30 = tpu.memref_slice %arg6[%dma_start3A_27, %dma_start3A_28, %dma_start3A_29] : memref<2x640x64xf32, #tpu.memory_space<vmem>> -> memref<1x128x64xf32, #tpu.memory_space<vmem>>
    %dma_start3A_31 = tpu.memref_squeeze %dma_start3A_30 : memref<1x128x64xf32, #tpu.memory_space<vmem>> -> memref<128x64xf32, #tpu.memory_space<vmem>>
    %dma_start3A_32 = arith.constant 0 : i32
    %dma_start3A_33 = tpu.memref_slice %arg5[%dma_start3A_26, %dma_start3A_32] : memref<200x128xi32, #tpu.memory_space<vmem>> -> memref<1x128xi32, #tpu.memory_space<vmem>>
    %dma_start3A_34 = tpu.memref_squeeze %dma_start3A_33 : memref<1x128xi32, #tpu.memory_space<vmem>> -> memref<128xi32, #tpu.memory_space<vmem>>
    %dma_start3A_35 = arith.constant 0 : i32
    %dma_start3A_36 = arith.constant 0 : i32
    %dma_start3A_37 = tpu.memref_slice %arg3[%dma_start3A_35, %dma_start3A_36] : memref<1000000x64xf32, #tpu.memory_space<hbm>> -> memref<1000000x64xf32, #tpu.memory_space<hbm>>
    tpu.enqueue_indirect_dma source(%dma_start3A_37 : memref<1000000x64xf32, #tpu.memory_space<hbm>>) target(%dma_start3A_31 : memref<128x64xf32, #tpu.memory_space<vmem>>) offsets(%dma_start3A_34 : memref<128xi32, #tpu.memory_space<vmem>>) semaphore(%arg7 : memref<!tpu.dma_semaphore, #tpu.memory_space<semaphore_mem>>)
    %dma_start3A_38 = arith.constant 3 : i32
    %dma_start3A_39 = arith.constant 0 : i32
    %dma_start3A_40 = arith.constant 384 : i32
    %dma_start3A_41 = arith.constant 0 : i32
    %dma_start3A_42 = tpu.memref_slice %arg6[%dma_start3A_39, %dma_start3A_40, %dma_start3A_41] : memref<2x640x64xf32, #tpu.memory_space<vmem>> -> memref<1x128x64xf32, #tpu.memory_space<vmem>>
    %dma_start3A_43 = tpu.memref_squeeze %dma_start3A_42 : memref<1x128x64xf32, #tpu.memory_space<vmem>> -> memref<128x64xf32, #tpu.memory_space<vmem>>
    %dma_start3A_44 = arith.constant 0 : i32
    %dma_start3A_45 = tpu.memref_slice %arg5[%dma_start3A_38, %dma_start3A_44] : memref<200x128xi32, #tpu.memory_space<vmem>> -> memref<1x128xi32, #tpu.memory_space<vmem>>
    %dma_start3A_46 = tpu.memref_squeeze %dma_start3A_45 : memref<1x128xi32, #tpu.memory_space<vmem>> -> memref<128xi32, #tpu.memory_space<vmem>>
    %dma_start3A_47 = arith.constant 0 : i32
    %dma_start3A_48 = arith.constant 0 : i32
    %dma_start3A_49 = tpu.memref_slice %arg3[%dma_start3A_47, %dma_start3A_48] : memref<1000000x64xf32, #tpu.memory_space<hbm>> -> memref<1000000x64xf32, #tpu.memory_space<hbm>>
    tpu.enqueue_indirect_dma source(%dma_start3A_49 : memref<1000000x64xf32, #tpu.memory_space<hbm>>) target(%dma_start3A_43 : memref<128x64xf32, #tpu.memory_space<vmem>>) offsets(%dma_start3A_46 : memref<128xi32, #tpu.memory_space<vmem>>) semaphore(%arg7 : memref<!tpu.dma_semaphore, #tpu.memory_space<semaphore_mem>>)
    %dma_start3A_50 = arith.constant 4 : i32
    %dma_start3A_51 = arith.constant 0 : i32
    %dma_start3A_52 = arith.constant 512 : i32
    %dma_start3A_53 = arith.constant 0 : i32
    %dma_start3A_54 = tpu.memref_slice %arg6[%dma_start3A_51, %dma_start3A_52, %dma_start3A_53] : memref<2x640x64xf32, #tpu.memory_space<vmem>> -> memref<1x128x64xf32, #tpu.memory_space<vmem>>
    %dma_start3A_55 = tpu.memref_squeeze %dma_start3A_54 : memref<1x128x64xf32, #tpu.memory_space<vmem>> -> memref<128x64xf32, #tpu.memory_space<vmem>>
    %dma_start3A_56 = arith.constant 0 : i32
    %dma_start3A_57 = tpu.memref_slice %arg5[%dma_start3A_50, %dma_start3A_56] : memref<200x128xi32, #tpu.memory_space<vmem>> -> memref<1x128xi32, #tpu.memory_space<vmem>>
    %dma_start3A_58 = tpu.memref_squeeze %dma_start3A_57 : memref<1x128xi32, #tpu.memory_space<vmem>> -> memref<128xi32, #tpu.memory_space<vmem>>
    %dma_start3A_59 = arith.constant 0 : i32
    %dma_start3A_60 = arith.constant 0 : i32
    %dma_start3A_61 = tpu.memref_slice %arg3[%dma_start3A_59, %dma_start3A_60] : memref<1000000x64xf32, #tpu.memory_space<hbm>> -> memref<1000000x64xf32, #tpu.memory_space<hbm>>
    tpu.enqueue_indirect_dma source(%dma_start3A_61 : memref<1000000x64xf32, #tpu.memory_space<hbm>>) target(%dma_start3A_55 : memref<128x64xf32, #tpu.memory_space<vmem>>) offsets(%dma_start3A_58 : memref<128xi32, #tpu.memory_space<vmem>>) semaphore(%arg7 : memref<!tpu.dma_semaphore, #tpu.memory_space<semaphore_mem>>)
    %dma_wait3A = arith.constant 0 : i32
    %dma_wait3A_62 = arith.constant 0 : i32
    %dma_wait3A_63 = arith.constant 0 : i32
    %dma_wait3A_64 = arith.constant 0 : i32
    %dma_wait3A_65 = tpu.memref_slice %arg6[%dma_wait3A_62, %dma_wait3A_63, %dma_wait3A_64] : memref<2x640x64xf32, #tpu.memory_space<vmem>> -> memref<1x128x64xf32, #tpu.memory_space<vmem>>
    %dma_wait3A_66 = tpu.memref_squeeze %dma_wait3A_65 : memref<1x128x64xf32, #tpu.memory_space<vmem>> -> memref<128x64xf32, #tpu.memory_space<vmem>>
    %dma_wait3A_67 = arith.constant 0 : i32
    %dma_wait3A_68 = tpu.memref_slice %arg5[%dma_wait3A, %dma_wait3A_67] : memref<200x128xi32, #tpu.memory_space<vmem>> -> memref<1x128xi32, #tpu.memory_space<vmem>>
    %dma_wait3A_69 = tpu.memref_squeeze %dma_wait3A_68 : memref<1x128xi32, #tpu.memory_space<vmem>> -> memref<128xi32, #tpu.memory_space<vmem>>
    %dma_wait3A_70 = arith.constant 0 : i32
    %dma_wait3A_71 = arith.constant 0 : i32
    %dma_wait3A_72 = tpu.memref_slice %arg3[%dma_wait3A_70, %dma_wait3A_71] : memref<1000000x64xf32, #tpu.memory_space<hbm>> -> memref<1000000x64xf32, #tpu.memory_space<hbm>>
    tpu.wait_indirect_dma semaphore(%arg7 : memref<!tpu.dma_semaphore, #tpu.memory_space<semaphore_mem>>) src(%dma_wait3A_72 : memref<1000000x64xf32, #tpu.memory_space<hbm>>) dst(%dma_wait3A_66 : memref<128x64xf32, #tpu.memory_space<vmem>>)
    %dma_wait3A_73 = arith.constant 1 : i32
    %dma_wait3A_74 = arith.constant 0 : i32
    %dma_wait3A_75 = arith.constant 128 : i32
    %dma_wait3A_76 = arith.constant 0 : i32
    %dma_wait3A_77 = tpu.memref_slice %arg6[%dma_wait3A_74, %dma_wait3A_75, %dma_wait3A_76] : memref<2x640x64xf32, #tpu.memory_space<vmem>> -> memref<1x128x64xf32, #tpu.memory_space<vmem>>
    %dma_wait3A_78 = tpu.memref_squeeze %dma_wait3A_77 : memref<1x128x64xf32, #tpu.memory_space<vmem>> -> memref<128x64xf32, #tpu.memory_space<vmem>>
    %dma_wait3A_79 = arith.constant 0 : i32
    %dma_wait3A_80 = tpu.memref_slice %arg5[%dma_wait3A_73, %dma_wait3A_79] : memref<200x128xi32, #tpu.memory_space<vmem>> -> memref<1x128xi32, #tpu.memory_space<vmem>>
    %dma_wait3A_81 = tpu.memref_squeeze %dma_wait3A_80 : memref<1x128xi32, #tpu.memory_space<vmem>> -> memref<128xi32, #tpu.memory_space<vmem>>
    %dma_wait3A_82 = arith.constant 0 : i32
    %dma_wait3A_83 = arith.constant 0 : i32
    %dma_wait3A_84 = tpu.memref_slice %arg3[%dma_wait3A_82, %dma_wait3A_83] : memref<1000000x64xf32, #tpu.memory_space<hbm>> -> memref<1000000x64xf32, #tpu.memory_space<hbm>>
    tpu.wait_indirect_dma semaphore(%arg7 : memref<!tpu.dma_semaphore, #tpu.memory_space<semaphore_mem>>) src(%dma_wait3A_84 : memref<1000000x64xf32, #tpu.memory_space<hbm>>) dst(%dma_wait3A_78 : memref<128x64xf32, #tpu.memory_space<vmem>>)
    %dma_wait3A_85 = arith.constant 2 : i32
    %dma_wait3A_86 = arith.constant 0 : i32
    %dma_wait3A_87 = arith.constant 256 : i32
    %dma_wait3A_88 = arith.constant 0 : i32
    %dma_wait3A_89 = tpu.memref_slice %arg6[%dma_wait3A_86, %dma_wait3A_87, %dma_wait3A_88] : memref<2x640x64xf32, #tpu.memory_space<vmem>> -> memref<1x128x64xf32, #tpu.memory_space<vmem>>
    %dma_wait3A_90 = tpu.memref_squeeze %dma_wait3A_89 : memref<1x128x64xf32, #tpu.memory_space<vmem>> -> memref<128x64xf32, #tpu.memory_space<vmem>>
    %dma_wait3A_91 = arith.constant 0 : i32
    %dma_wait3A_92 = tpu.memref_slice %arg5[%dma_wait3A_85, %dma_wait3A_91] : memref<200x128xi32, #tpu.memory_space<vmem>> -> memref<1x128xi32, #tpu.memory_space<vmem>>
    %dma_wait3A_93 = tpu.memref_squeeze %dma_wait3A_92 : memref<1x128xi32, #tpu.memory_space<vmem>> -> memref<128xi32, #tpu.memory_space<vmem>>
    %dma_wait3A_94 = arith.constant 0 : i32
    %dma_wait3A_95 = arith.constant 0 : i32
    %dma_wait3A_96 = tpu.memref_slice %arg3[%dma_wait3A_94, %dma_wait3A_95] : memref<1000000x64xf32, #tpu.memory_space<hbm>> -> memref<1000000x64xf32, #tpu.memory_space<hbm>>
    tpu.wait_indirect_dma semaphore(%arg7 : memref<!tpu.dma_semaphore, #tpu.memory_space<semaphore_mem>>) src(%dma_wait3A_96 : memref<1000000x64xf32, #tpu.memory_space<hbm>>) dst(%dma_wait3A_90 : memref<128x64xf32, #tpu.memory_space<vmem>>)
    %dma_wait3A_97 = arith.constant 3 : i32
    %dma_wait3A_98 = arith.constant 0 : i32
    %dma_wait3A_99 = arith.constant 384 : i32
    %dma_wait3A_100 = arith.constant 0 : i32
    %dma_wait3A_101 = tpu.memref_slice %arg6[%dma_wait3A_98, %dma_wait3A_99, %dma_wait3A_100] : memref<2x640x64xf32, #tpu.memory_space<vmem>> -> memref<1x128x64xf32, #tpu.memory_space<vmem>>
    %dma_wait3A_102 = tpu.memref_squeeze %dma_wait3A_101 : memref<1x128x64xf32, #tpu.memory_space<vmem>> -> memref<128x64xf32, #tpu.memory_space<vmem>>
    %dma_wait3A_103 = arith.constant 0 : i32
    %dma_wait3A_104 = tpu.memref_slice %arg5[%dma_wait3A_97, %dma_wait3A_103] : memref<200x128xi32, #tpu.memory_space<vmem>> -> memref<1x128xi32, #tpu.memory_space<vmem>>
    %dma_wait3A_105 = tpu.memref_squeeze %dma_wait3A_104 : memref<1x128xi32, #tpu.memory_space<vmem>> -> memref<128xi32, #tpu.memory_space<vmem>>
    %dma_wait3A_106 = arith.constant 0 : i32
    %dma_wait3A_107 = arith.constant 0 : i32
    %dma_wait3A_108 = tpu.memref_slice %arg3[%dma_wait3A_106, %dma_wait3A_107] : memref<1000000x64xf32, #tpu.memory_space<hbm>> -> memref<1000000x64xf32, #tpu.memory_space<hbm>>
    tpu.wait_indirect_dma semaphore(%arg7 : memref<!tpu.dma_semaphore, #tpu.memory_space<semaphore_mem>>) src(%dma_wait3A_108 : memref<1000000x64xf32, #tpu.memory_space<hbm>>) dst(%dma_wait3A_102 : memref<128x64xf32, #tpu.memory_space<vmem>>)
    %dma_wait3A_109 = arith.constant 4 : i32
    %dma_wait3A_110 = arith.constant 0 : i32
    %dma_wait3A_111 = arith.constant 512 : i32
    %dma_wait3A_112 = arith.constant 0 : i32
    %dma_wait3A_113 = tpu.memref_slice %arg6[%dma_wait3A_110, %dma_wait3A_111, %dma_wait3A_112] : memref<2x640x64xf32, #tpu.memory_space<vmem>> -> memref<1x128x64xf32, #tpu.memory_space<vmem>>
    %dma_wait3A_114 = tpu.memref_squeeze %dma_wait3A_113 : memref<1x128x64xf32, #tpu.memory_space<vmem>> -> memref<128x64xf32, #tpu.memory_space<vmem>>
    %dma_wait3A_115 = arith.constant 0 : i32
    %dma_wait3A_116 = tpu.memref_slice %arg5[%dma_wait3A_109, %dma_wait3A_115] : memref<200x128xi32, #tpu.memory_space<vmem>> -> memref<1x128xi32, #tpu.memory_space<vmem>>
    %dma_wait3A_117 = tpu.memref_squeeze %dma_wait3A_116 : memref<1x128xi32, #tpu.memory_space<vmem>> -> memref<128xi32, #tpu.memory_space<vmem>>
    %dma_wait3A_118 = arith.constant 0 : i32
    %dma_wait3A_119 = arith.constant 0 : i32
    %dma_wait3A_120 = tpu.memref_slice %arg3[%dma_wait3A_118, %dma_wait3A_119] : memref<1000000x64xf32, #tpu.memory_space<hbm>> -> memref<1000000x64xf32, #tpu.memory_space<hbm>>
    tpu.wait_indirect_dma semaphore(%arg7 : memref<!tpu.dma_semaphore, #tpu.memory_space<semaphore_mem>>) src(%dma_wait3A_120 : memref<1000000x64xf32, #tpu.memory_space<hbm>>) dst(%dma_wait3A_114 : memref<128x64xf32, #tpu.memory_space<vmem>>)
    %add3A_121 = arith.constant 0 : i32
    %add3A_122 = arith.addi %mul3A_2, %add3A_121 : i32
    %dma_start3A_123 = arith.constant 0 : i32
    %dma_start3A_124 = arith.constant 0 : i32
    %dma_start3A_125 = arith.constant 0 : i32
    %dma_start3A_126 = tpu.memref_slice %arg6[%dma_start3A_123, %dma_start3A_124, %dma_start3A_125] : memref<2x640x64xf32, #tpu.memory_space<vmem>> -> memref<1x640x64xf32, #tpu.memory_space<vmem>>
    %dma_start3A_127 = tpu.memref_squeeze %dma_start3A_126 : memref<1x640x64xf32, #tpu.memory_space<vmem>> -> memref<640x64xf32, #tpu.memory_space<vmem>>
    %dma_start3A_128 = arith.constant 0 : i32
    %dma_start3A_129 = tpu.memref_slice %arg4[%add3A_122, %dma_start3A_128] : memref<819200x64xf32, #tpu.memory_space<hbm>> -> memref<640x64xf32, #tpu.memory_space<hbm>>
    %dma_start3A_130 = arith.constant 0 : i32
    %dma_start3A_131 = tpu.memref_slice %arg4[%add3A_122, %dma_start3A_130] : memref<819200x64xf32, #tpu.memory_space<hbm>> -> memref<640x64xf32, #tpu.memory_space<hbm>>
    %dma_start3A_132 = arith.constant 0 : i32
    %dma_start3A_133 = arith.constant 0 : i32
    %dma_start3A_134 = tpu.memref_slice %arg6[%dma_start3A_123, %dma_start3A_132, %dma_start3A_133] : memref<2x640x64xf32, #tpu.memory_space<vmem>> -> memref<1x640x64xf32, #tpu.memory_space<vmem>>
    %dma_start3A_135 = tpu.memref_squeeze %dma_start3A_134 : memref<1x640x64xf32, #tpu.memory_space<vmem>> -> memref<640x64xf32, #tpu.memory_space<vmem>>
    tpu.enqueue_dma source(%dma_start3A_135 : memref<640x64xf32, #tpu.memory_space<vmem>>) target(%dma_start3A_131 : memref<640x64xf32, #tpu.memory_space<hbm>>) target_semaphore(%arg8 : memref<!tpu.dma_semaphore, #tpu.memory_space<semaphore_mem>>)
    %dma_start3A_136 = arith.constant 5 : i32
    %dma_start3A_137 = arith.constant 1 : i32
    %dma_start3A_138 = arith.constant 0 : i32
    %dma_start3A_139 = arith.constant 0 : i32
    %dma_start3A_140 = tpu.memref_slice %arg6[%dma_start3A_137, %dma_start3A_138, %dma_start3A_139] : memref<2x640x64xf32, #tpu.memory_space<vmem>> -> memref<1x128x64xf32, #tpu.memory_space<vmem>>
    %dma_start3A_141 = tpu.memref_squeeze %dma_start3A_140 : memref<1x128x64xf32, #tpu.memory_space<vmem>> -> memref<128x64xf32, #tpu.memory_space<vmem>>
    %dma_start3A_142 = arith.constant 0 : i32
    %dma_start3A_143 = tpu.memref_slice %arg5[%dma_start3A_136, %dma_start3A_142] : memref<200x128xi32, #tpu.memory_space<vmem>> -> memref<1x128xi32, #tpu.memory_space<vmem>>
    %dma_start3A_144 = tpu.memref_squeeze %dma_start3A_143 : memref<1x128xi32, #tpu.memory_space<vmem>> -> memref<128xi32, #tpu.memory_space<vmem>>
    %dma_start3A_145 = arith.constant 0 : i32
    %dma_start3A_146 = arith.constant 0 : i32
    %dma_start3A_147 = tpu.memref_slice %arg3[%dma_start3A_145, %dma_start3A_146] : memref<1000000x64xf32, #tpu.memory_space<hbm>> -> memref<1000000x64xf32, #tpu.memory_space<hbm>>
    tpu.enqueue_indirect_dma source(%dma_start3A_147 : memref<1000000x64xf32, #tpu.memory_space<hbm>>) target(%dma_start3A_141 : memref<128x64xf32, #tpu.memory_space<vmem>>) offsets(%dma_start3A_144 : memref<128xi32, #tpu.memory_space<vmem>>) semaphore(%arg7 : memref<!tpu.dma_semaphore, #tpu.memory_space<semaphore_mem>>)
    %dma_start3A_148 = arith.constant 6 : i32
    %dma_start3A_149 = arith.constant 1 : i32
    %dma_start3A_150 = arith.constant 128 : i32
    %dma_start3A_151 = arith.constant 0 : i32
    %dma_start3A_152 = tpu.memref_slice %arg6[%dma_start3A_149, %dma_start3A_150, %dma_start3A_151] : memref<2x640x64xf32, #tpu.memory_space<vmem>> -> memref<1x128x64xf32, #tpu.memory_space<vmem>>
    %dma_start3A_153 = tpu.memref_squeeze %dma_start3A_152 : memref<1x128x64xf32, #tpu.memory_space<vmem>> -> memref<128x64xf32, #tpu.memory_space<vmem>>
    %dma_start3A_154 = arith.constant 0 : i32
    %dma_start3A_155 = tpu.memref_slice %arg5[%dma_start3A_148, %dma_start3A_154] : memref<200x128xi32, #tpu.memory_space<vmem>> -> memref<1x128xi32, #tpu.memory_space<vmem>>
    %dma_start3A_156 = tpu.memref_squeeze %dma_start3A_155 : memref<1x128xi32, #tpu.memory_space<vmem>> -> memref<128xi32, #tpu.memory_space<vmem>>
    %dma_start3A_157 = arith.constant 0 : i32
    %dma_start3A_158 = arith.constant 0 : i32
    %dma_start3A_159 = tpu.memref_slice %arg3[%dma_start3A_157, %dma_start3A_158] : memref<1000000x64xf32, #tpu.memory_space<hbm>> -> memref<1000000x64xf32, #tpu.memory_space<hbm>>
    tpu.enqueue_indirect_dma source(%dma_start3A_159 : memref<1000000x64xf32, #tpu.memory_space<hbm>>) target(%dma_start3A_153 : memref<128x64xf32, #tpu.memory_space<vmem>>) offsets(%dma_start3A_156 : memref<128xi32, #tpu.memory_space<vmem>>) semaphore(%arg7 : memref<!tpu.dma_semaphore, #tpu.memory_space<semaphore_mem>>)
    %dma_start3A_160 = arith.constant 7 : i32
    %dma_start3A_161 = arith.constant 1 : i32
    %dma_start3A_162 = arith.constant 256 : i32
    %dma_start3A_163 = arith.constant 0 : i32
    %dma_start3A_164 = tpu.memref_slice %arg6[%dma_start3A_161, %dma_start3A_162, %dma_start3A_163] : memref<2x640x64xf32, #tpu.memory_space<vmem>> -> memref<1x128x64xf32, #tpu.memory_space<vmem>>
    %dma_start3A_165 = tpu.memref_squeeze %dma_start3A_164 : memref<1x128x64xf32, #tpu.memory_space<vmem>> -> memref<128x64xf32, #tpu.memory_space<vmem>>
    %dma_start3A_166 = arith.constant 0 : i32
    %dma_start3A_167 = tpu.memref_slice %arg5[%dma_start3A_160, %dma_start3A_166] : memref<200x128xi32, #tpu.memory_space<vmem>> -> memref<1x128xi32, #tpu.memory_space<vmem>>
    %dma_start3A_168 = tpu.memref_squeeze %dma_start3A_167 : memref<1x128xi32, #tpu.memory_space<vmem>> -> memref<128xi32, #tpu.memory_space<vmem>>
    %dma_start3A_169 = arith.constant 0 : i32
    %dma_start3A_170 = arith.constant 0 : i32
    %dma_start3A_171 = tpu.memref_slice %arg3[%dma_start3A_169, %dma_start3A_170] : memref<1000000x64xf32, #tpu.memory_space<hbm>> -> memref<1000000x64xf32, #tpu.memory_space<hbm>>
    tpu.enqueue_indirect_dma source(%dma_start3A_171 : memref<1000000x64xf32, #tpu.memory_space<hbm>>) target(%dma_start3A_165 : memref<128x64xf32, #tpu.memory_space<vmem>>) offsets(%dma_start3A_168 : memref<128xi32, #tpu.memory_space<vmem>>) semaphore(%arg7 : memref<!tpu.dma_semaphore, #tpu.memory_space<semaphore_mem>>)
    %dma_start3A_172 = arith.constant 8 : i32
    %dma_start3A_173 = arith.constant 1 : i32
    %dma_start3A_174 = arith.constant 384 : i32
    %dma_start3A_175 = arith.constant 0 : i32
    %dma_start3A_176 = tpu.memref_slice %arg6[%dma_start3A_173, %dma_start3A_174, %dma_start3A_175] : memref<2x640x64xf32, #tpu.memory_space<vmem>> -> memref<1x128x64xf32, #tpu.memory_space<vmem>>
    %dma_start3A_177 = tpu.memref_squeeze %dma_start3A_176 : memref<1x128x64xf32, #tpu.memory_space<vmem>> -> memref<128x64xf32, #tpu.memory_space<vmem>>
    %dma_start3A_178 = arith.constant 0 : i32
    %dma_start3A_179 = tpu.memref_slice %arg5[%dma_start3A_172, %dma_start3A_178] : memref<200x128xi32, #tpu.memory_space<vmem>> -> memref<1x128xi32, #tpu.memory_space<vmem>>
    %dma_start3A_180 = tpu.memref_squeeze %dma_start3A_179 : memref<1x128xi32, #tpu.memory_space<vmem>> -> memref<128xi32, #tpu.memory_space<vmem>>
    %dma_start3A_181 = arith.constant 0 : i32
    %dma_start3A_182 = arith.constant 0 : i32
    %dma_start3A_183 = tpu.memref_slice %arg3[%dma_start3A_181, %dma_start3A_182] : memref<1000000x64xf32, #tpu.memory_space<hbm>> -> memref<1000000x64xf32, #tpu.memory_space<hbm>>
    tpu.enqueue_indirect_dma source(%dma_start3A_183 : memref<1000000x64xf32, #tpu.memory_space<hbm>>) target(%dma_start3A_177 : memref<128x64xf32, #tpu.memory_space<vmem>>) offsets(%dma_start3A_180 : memref<128xi32, #tpu.memory_space<vmem>>) semaphore(%arg7 : memref<!tpu.dma_semaphore, #tpu.memory_space<semaphore_mem>>)
    %dma_start3A_184 = arith.constant 9 : i32
    %dma_start3A_185 = arith.constant 1 : i32
    %dma_start3A_186 = arith.constant 512 : i32
    %dma_start3A_187 = arith.constant 0 : i32
    %dma_start3A_188 = tpu.memref_slice %arg6[%dma_start3A_185, %dma_start3A_186, %dma_start3A_187] : memref<2x640x64xf32, #tpu.memory_space<vmem>> -> memref<1x128x64xf32, #tpu.memory_space<vmem>>
    %dma_start3A_189 = tpu.memref_squeeze %dma_start3A_188 : memref<1x128x64xf32, #tpu.memory_space<vmem>> -> memref<128x64xf32, #tpu.memory_space<vmem>>
    %dma_start3A_190 = arith.constant 0 : i32
    %dma_start3A_191 = tpu.memref_slice %arg5[%dma_start3A_184, %dma_start3A_190] : memref<200x128xi32, #tpu.memory_space<vmem>> -> memref<1x128xi32, #tpu.memory_space<vmem>>
    %dma_start3A_192 = tpu.memref_squeeze %dma_start3A_191 : memref<1x128xi32, #tpu.memory_space<vmem>> -> memref<128xi32, #tpu.memory_space<vmem>>
    %dma_start3A_193 = arith.constant 0 : i32
    %dma_start3A_194 = arith.constant 0 : i32
    %dma_start3A_195 = tpu.memref_slice %arg3[%dma_start3A_193, %dma_start3A_194] : memref<1000000x64xf32, #tpu.memory_space<hbm>> -> memref<1000000x64xf32, #tpu.memory_space<hbm>>
    tpu.enqueue_indirect_dma source(%dma_start3A_195 : memref<1000000x64xf32, #tpu.memory_space<hbm>>) target(%dma_start3A_189 : memref<128x64xf32, #tpu.memory_space<vmem>>) offsets(%dma_start3A_192 : memref<128xi32, #tpu.memory_space<vmem>>) semaphore(%arg7 : memref<!tpu.dma_semaphore, #tpu.memory_space<semaphore_mem>>)
    %scan3A = arith.constant 0 : i32
    %scan3A_196 = arith.constant 19 : i32
    %scan3A_197 = arith.addi %scan3A, %scan3A_196 : i32
    %scan3A_198 = arith.constant 1 : i32
    scf.for %scan3A_305 = %scan3A to %scan3A_197 step %scan3A_198  : i32 {
      %mul3A_306 = arith.constant 1 : i32
      %mul3A_307 = arith.muli %scan3A_305, %mul3A_306 : i32
      %add3A_308 = arith.constant 0 : i32
      %add3A_309 = arith.addi %add3A_308, %mul3A_307 : i32
      %mul3A_310 = arith.constant 2 : i32
      %mul3A_311 = arith.muli %mul3A_310, %add3A_309 : i32
      %add3A_312 = arith.constant 1 : i32
      %add3A_313 = arith.addi %mul3A_311, %add3A_312 : i32
      %mul3A_314 = arith.constant 5 : i32
      %mul3A_315 = arith.muli %add3A_313, %mul3A_314 : i32
      %add3A_316 = arith.constant 0 : i32
      %add3A_317 = arith.addi %mul3A_315, %add3A_316 : i32
      %dma_wait3A_318 = arith.constant 1 : i32
      %dma_wait3A_319 = arith.constant 0 : i32
      %dma_wait3A_320 = arith.constant 0 : i32
      %dma_wait3A_321 = tpu.memref_slice %arg6[%dma_wait3A_318, %dma_wait3A_319, %dma_wait3A_320] : memref<2x640x64xf32, #tpu.memory_space<vmem>> -> memref<1x128x64xf32, #tpu.memory_space<vmem>>
      %dma_wait3A_322 = tpu.memref_squeeze %dma_wait3A_321 : memref<1x128x64xf32, #tpu.memory_space<vmem>> -> memref<128x64xf32, #tpu.memory_space<vmem>>
      %dma_wait3A_323 = arith.constant 0 : i32
      %dma_wait3A_324 = tpu.memref_slice %arg5[%add3A_317, %dma_wait3A_323] : memref<200x128xi32, #tpu.memory_space<vmem>> -> memref<1x128xi32, #tpu.memory_space<vmem>>
      %dma_wait3A_325 = tpu.memref_squeeze %dma_wait3A_324 : memref<1x128xi32, #tpu.memory_space<vmem>> -> memref<128xi32, #tpu.memory_space<vmem>>
      %dma_wait3A_326 = arith.constant 0 : i32
      %dma_wait3A_327 = arith.constant 0 : i32
      %dma_wait3A_328 = tpu.memref_slice %arg3[%dma_wait3A_326, %dma_wait3A_327] : memref<1000000x64xf32, #tpu.memory_space<hbm>> -> memref<1000000x64xf32, #tpu.memory_space<hbm>>
      tpu.wait_indirect_dma semaphore(%arg7 : memref<!tpu.dma_semaphore, #tpu.memory_space<semaphore_mem>>) src(%dma_wait3A_328 : memref<1000000x64xf32, #tpu.memory_space<hbm>>) dst(%dma_wait3A_322 : memref<128x64xf32, #tpu.memory_space<vmem>>)
      %mul3A_329 = arith.constant 5 : i32
      %mul3A_330 = arith.muli %add3A_313, %mul3A_329 : i32
      %add3A_331 = arith.constant 1 : i32
      %add3A_332 = arith.addi %mul3A_330, %add3A_331 : i32
      %dma_wait3A_333 = arith.constant 1 : i32
      %dma_wait3A_334 = arith.constant 128 : i32
      %dma_wait3A_335 = arith.constant 0 : i32
      %dma_wait3A_336 = tpu.memref_slice %arg6[%dma_wait3A_333, %dma_wait3A_334, %dma_wait3A_335] : memref<2x640x64xf32, #tpu.memory_space<vmem>> -> memref<1x128x64xf32, #tpu.memory_space<vmem>>
      %dma_wait3A_337 = tpu.memref_squeeze %dma_wait3A_336 : memref<1x128x64xf32, #tpu.memory_space<vmem>> -> memref<128x64xf32, #tpu.memory_space<vmem>>
      %dma_wait3A_338 = arith.constant 0 : i32
      %dma_wait3A_339 = tpu.memref_slice %arg5[%add3A_332, %dma_wait3A_338] : memref<200x128xi32, #tpu.memory_space<vmem>> -> memref<1x128xi32, #tpu.memory_space<vmem>>
      %dma_wait3A_340 = tpu.memref_squeeze %dma_wait3A_339 : memref<1x128xi32, #tpu.memory_space<vmem>> -> memref<128xi32, #tpu.memory_space<vmem>>
      %dma_wait3A_341 = arith.constant 0 : i32
      %dma_wait3A_342 = arith.constant 0 : i32
      %dma_wait3A_343 = tpu.memref_slice %arg3[%dma_wait3A_341, %dma_wait3A_342] : memref<1000000x64xf32, #tpu.memory_space<hbm>> -> memref<1000000x64xf32, #tpu.memory_space<hbm>>
      tpu.wait_indirect_dma semaphore(%arg7 : memref<!tpu.dma_semaphore, #tpu.memory_space<semaphore_mem>>) src(%dma_wait3A_343 : memref<1000000x64xf32, #tpu.memory_space<hbm>>) dst(%dma_wait3A_337 : memref<128x64xf32, #tpu.memory_space<vmem>>)
      %mul3A_344 = arith.constant 5 : i32
      %mul3A_345 = arith.muli %add3A_313, %mul3A_344 : i32
      %add3A_346 = arith.constant 2 : i32
      %add3A_347 = arith.addi %mul3A_345, %add3A_346 : i32
      %dma_wait3A_348 = arith.constant 1 : i32
      %dma_wait3A_349 = arith.constant 256 : i32
      %dma_wait3A_350 = arith.constant 0 : i32
      %dma_wait3A_351 = tpu.memref_slice %arg6[%dma_wait3A_348, %dma_wait3A_349, %dma_wait3A_350] : memref<2x640x64xf32, #tpu.memory_space<vmem>> -> memref<1x128x64xf32, #tpu.memory_space<vmem>>
      %dma_wait3A_352 = tpu.memref_squeeze %dma_wait3A_351 : memref<1x128x64xf32, #tpu.memory_space<vmem>> -> memref<128x64xf32, #tpu.memory_space<vmem>>
      %dma_wait3A_353 = arith.constant 0 : i32
      %dma_wait3A_354 = tpu.memref_slice %arg5[%add3A_347, %dma_wait3A_353] : memref<200x128xi32, #tpu.memory_space<vmem>> -> memref<1x128xi32, #tpu.memory_space<vmem>>
      %dma_wait3A_355 = tpu.memref_squeeze %dma_wait3A_354 : memref<1x128xi32, #tpu.memory_space<vmem>> -> memref<128xi32, #tpu.memory_space<vmem>>
      %dma_wait3A_356 = arith.constant 0 : i32
      %dma_wait3A_357 = arith.constant 0 : i32
      %dma_wait3A_358 = tpu.memref_slice %arg3[%dma_wait3A_356, %dma_wait3A_357] : memref<1000000x64xf32, #tpu.memory_space<hbm>> -> memref<1000000x64xf32, #tpu.memory_space<hbm>>
      tpu.wait_indirect_dma semaphore(%arg7 : memref<!tpu.dma_semaphore, #tpu.memory_space<semaphore_mem>>) src(%dma_wait3A_358 : memref<1000000x64xf32, #tpu.memory_space<hbm>>) dst(%dma_wait3A_352 : memref<128x64xf32, #tpu.memory_space<vmem>>)
      %mul3A_359 = arith.constant 5 : i32
      %mul3A_360 = arith.muli %add3A_313, %mul3A_359 : i32
      %add3A_361 = arith.constant 3 : i32
      %add3A_362 = arith.addi %mul3A_360, %add3A_361 : i32
      %dma_wait3A_363 = arith.constant 1 : i32
      %dma_wait3A_364 = arith.constant 384 : i32
      %dma_wait3A_365 = arith.constant 0 : i32
      %dma_wait3A_366 = tpu.memref_slice %arg6[%dma_wait3A_363, %dma_wait3A_364, %dma_wait3A_365] : memref<2x640x64xf32, #tpu.memory_space<vmem>> -> memref<1x128x64xf32, #tpu.memory_space<vmem>>
      %dma_wait3A_367 = tpu.memref_squeeze %dma_wait3A_366 : memref<1x128x64xf32, #tpu.memory_space<vmem>> -> memref<128x64xf32, #tpu.memory_space<vmem>>
      %dma_wait3A_368 = arith.constant 0 : i32
      %dma_wait3A_369 = tpu.memref_slice %arg5[%add3A_362, %dma_wait3A_368] : memref<200x128xi32, #tpu.memory_space<vmem>> -> memref<1x128xi32, #tpu.memory_space<vmem>>
      %dma_wait3A_370 = tpu.memref_squeeze %dma_wait3A_369 : memref<1x128xi32, #tpu.memory_space<vmem>> -> memref<128xi32, #tpu.memory_space<vmem>>
      %dma_wait3A_371 = arith.constant 0 : i32
      %dma_wait3A_372 = arith.constant 0 : i32
      %dma_wait3A_373 = tpu.memref_slice %arg3[%dma_wait3A_371, %dma_wait3A_372] : memref<1000000x64xf32, #tpu.memory_space<hbm>> -> memref<1000000x64xf32, #tpu.memory_space<hbm>>
      tpu.wait_indirect_dma semaphore(%arg7 : memref<!tpu.dma_semaphore, #tpu.memory_space<semaphore_mem>>) src(%dma_wait3A_373 : memref<1000000x64xf32, #tpu.memory_space<hbm>>) dst(%dma_wait3A_367 : memref<128x64xf32, #tpu.memory_space<vmem>>)
      %mul3A_374 = arith.constant 5 : i32
      %mul3A_375 = arith.muli %add3A_313, %mul3A_374 : i32
      %add3A_376 = arith.constant 4 : i32
      %add3A_377 = arith.addi %mul3A_375, %add3A_376 : i32
      %dma_wait3A_378 = arith.constant 1 : i32
      %dma_wait3A_379 = arith.constant 512 : i32
      %dma_wait3A_380 = arith.constant 0 : i32
      %dma_wait3A_381 = tpu.memref_slice %arg6[%dma_wait3A_378, %dma_wait3A_379, %dma_wait3A_380] : memref<2x640x64xf32, #tpu.memory_space<vmem>> -> memref<1x128x64xf32, #tpu.memory_space<vmem>>
      %dma_wait3A_382 = tpu.memref_squeeze %dma_wait3A_381 : memref<1x128x64xf32, #tpu.memory_space<vmem>> -> memref<128x64xf32, #tpu.memory_space<vmem>>
      %dma_wait3A_383 = arith.constant 0 : i32
      %dma_wait3A_384 = tpu.memref_slice %arg5[%add3A_377, %dma_wait3A_383] : memref<200x128xi32, #tpu.memory_space<vmem>> -> memref<1x128xi32, #tpu.memory_space<vmem>>
      %dma_wait3A_385 = tpu.memref_squeeze %dma_wait3A_384 : memref<1x128xi32, #tpu.memory_space<vmem>> -> memref<128xi32, #tpu.memory_space<vmem>>
      %dma_wait3A_386 = arith.constant 0 : i32
      %dma_wait3A_387 = arith.constant 0 : i32
      %dma_wait3A_388 = tpu.memref_slice %arg3[%dma_wait3A_386, %dma_wait3A_387] : memref<1000000x64xf32, #tpu.memory_space<hbm>> -> memref<1000000x64xf32, #tpu.memory_space<hbm>>
      tpu.wait_indirect_dma semaphore(%arg7 : memref<!tpu.dma_semaphore, #tpu.memory_space<semaphore_mem>>) src(%dma_wait3A_388 : memref<1000000x64xf32, #tpu.memory_space<hbm>>) dst(%dma_wait3A_382 : memref<128x64xf32, #tpu.memory_space<vmem>>)
      %mul3A_389 = arith.constant 640 : i32
      %mul3A_390 = arith.muli %add3A_313, %mul3A_389 : i32
      %add3A_391 = arith.addi %mul3A_2, %mul3A_390 : i32
      %dma_start3A_392 = arith.constant 1 : i32
      %dma_start3A_393 = arith.constant 0 : i32
      %dma_start3A_394 = arith.constant 0 : i32
      %dma_start3A_395 = tpu.memref_slice %arg6[%dma_start3A_392, %dma_start3A_393, %dma_start3A_394] : memref<2x640x64xf32, #tpu.memory_space<vmem>> -> memref<1x640x64xf32, #tpu.memory_space<vmem>>
      %dma_start3A_396 = tpu.memref_squeeze %dma_start3A_395 : memref<1x640x64xf32, #tpu.memory_space<vmem>> -> memref<640x64xf32, #tpu.memory_space<vmem>>
      %dma_start3A_397 = arith.constant 0 : i32
      %dma_start3A_398 = tpu.memref_slice %arg4[%add3A_391, %dma_start3A_397] : memref<819200x64xf32, #tpu.memory_space<hbm>> -> memref<640x64xf32, #tpu.memory_space<hbm>>
      %dma_start3A_399 = arith.constant 0 : i32
      %dma_start3A_400 = tpu.memref_slice %arg4[%add3A_391, %dma_start3A_399] : memref<819200x64xf32, #tpu.memory_space<hbm>> -> memref<640x64xf32, #tpu.memory_space<hbm>>
      %dma_start3A_401 = arith.constant 0 : i32
      %dma_start3A_402 = arith.constant 0 : i32
      %dma_start3A_403 = tpu.memref_slice %arg6[%dma_start3A_392, %dma_start3A_401, %dma_start3A_402] : memref<2x640x64xf32, #tpu.memory_space<vmem>> -> memref<1x640x64xf32, #tpu.memory_space<vmem>>
      %dma_start3A_404 = tpu.memref_squeeze %dma_start3A_403 : memref<1x640x64xf32, #tpu.memory_space<vmem>> -> memref<640x64xf32, #tpu.memory_space<vmem>>
      tpu.enqueue_dma source(%dma_start3A_404 : memref<640x64xf32, #tpu.memory_space<vmem>>) target(%dma_start3A_400 : memref<640x64xf32, #tpu.memory_space<hbm>>) target_semaphore(%arg8 : memref<!tpu.dma_semaphore, #tpu.memory_space<semaphore_mem>>)
      %sub3A = arith.constant 1 : i32
      %sub3A_405 = arith.subi %add3A_313, %sub3A : i32
      %mul3A_406 = arith.constant 640 : i32
      %mul3A_407 = arith.muli %sub3A_405, %mul3A_406 : i32
      %add3A_408 = arith.addi %mul3A_2, %mul3A_407 : i32
      %dma_wait3A_409 = arith.constant 0 : i32
      %dma_wait3A_410 = arith.constant 0 : i32
      %dma_wait3A_411 = arith.constant 0 : i32
      %dma_wait3A_412 = tpu.memref_slice %arg6[%dma_wait3A_409, %dma_wait3A_410, %dma_wait3A_411] : memref<2x640x64xf32, #tpu.memory_space<vmem>> -> memref<1x640x64xf32, #tpu.memory_space<vmem>>
      %dma_wait3A_413 = tpu.memref_squeeze %dma_wait3A_412 : memref<1x640x64xf32, #tpu.memory_space<vmem>> -> memref<640x64xf32, #tpu.memory_space<vmem>>
      %dma_wait3A_414 = arith.constant 0 : i32
      %dma_wait3A_415 = tpu.memref_slice %arg4[%add3A_408, %dma_wait3A_414] : memref<819200x64xf32, #tpu.memory_space<hbm>> -> memref<640x64xf32, #tpu.memory_space<hbm>>
      %dma_wait3A_416 = arith.constant 0 : i32
      %dma_wait3A_417 = tpu.memref_slice %arg4[%add3A_408, %dma_wait3A_416] : memref<819200x64xf32, #tpu.memory_space<hbm>> -> memref<640x64xf32, #tpu.memory_space<hbm>>
      %dma_wait3A_418 = arith.constant 0 : i32
      %dma_wait3A_419 = arith.constant 0 : i32
      %dma_wait3A_420 = tpu.memref_slice %arg6[%dma_wait3A_409, %dma_wait3A_418, %dma_wait3A_419] : memref<2x640x64xf32, #tpu.memory_space<vmem>> -> memref<1x640x64xf32, #tpu.memory_space<vmem>>
      %dma_wait3A_421 = tpu.memref_squeeze %dma_wait3A_420 : memref<1x640x64xf32, #tpu.memory_space<vmem>> -> memref<640x64xf32, #tpu.memory_space<vmem>>
      tpu.wait_dma2 semaphore(%arg8 : memref<!tpu.dma_semaphore, #tpu.memory_space<semaphore_mem>>) src(%dma_wait3A_421 : memref<640x64xf32, #tpu.memory_space<vmem>>) dst(%dma_wait3A_417 : memref<640x64xf32, #tpu.memory_space<hbm>>)
      %add3A_422 = arith.constant 1 : i32
      %add3A_423 = arith.addi %add3A_313, %add3A_422 : i32
      %mul3A_424 = arith.constant 5 : i32
      %mul3A_425 = arith.muli %add3A_423, %mul3A_424 : i32
      %add3A_426 = arith.constant 0 : i32
      %add3A_427 = arith.addi %mul3A_425, %add3A_426 : i32
      %dma_start3A_428 = arith.constant 0 : i32
      %dma_start3A_429 = arith.constant 0 : i32
      %dma_start3A_430 = arith.constant 0 : i32
      %dma_start3A_431 = tpu.memref_slice %arg6[%dma_start3A_428, %dma_start3A_429, %dma_start3A_430] : memref<2x640x64xf32, #tpu.memory_space<vmem>> -> memref<1x128x64xf32, #tpu.memory_space<vmem>>
      %dma_start3A_432 = tpu.memref_squeeze %dma_start3A_431 : memref<1x128x64xf32, #tpu.memory_space<vmem>> -> memref<128x64xf32, #tpu.memory_space<vmem>>
      %dma_start3A_433 = arith.constant 0 : i32
      %dma_start3A_434 = tpu.memref_slice %arg5[%add3A_427, %dma_start3A_433] : memref<200x128xi32, #tpu.memory_space<vmem>> -> memref<1x128xi32, #tpu.memory_space<vmem>>
      %dma_start3A_435 = tpu.memref_squeeze %dma_start3A_434 : memref<1x128xi32, #tpu.memory_space<vmem>> -> memref<128xi32, #tpu.memory_space<vmem>>
      %dma_start3A_436 = arith.constant 0 : i32
      %dma_start3A_437 = arith.constant 0 : i32
      %dma_start3A_438 = tpu.memref_slice %arg3[%dma_start3A_436, %dma_start3A_437] : memref<1000000x64xf32, #tpu.memory_space<hbm>> -> memref<1000000x64xf32, #tpu.memory_space<hbm>>
      tpu.enqueue_indirect_dma source(%dma_start3A_438 : memref<1000000x64xf32, #tpu.memory_space<hbm>>) target(%dma_start3A_432 : memref<128x64xf32, #tpu.memory_space<vmem>>) offsets(%dma_start3A_435 : memref<128xi32, #tpu.memory_space<vmem>>) semaphore(%arg7 : memref<!tpu.dma_semaphore, #tpu.memory_space<semaphore_mem>>)
      %mul3A_439 = arith.constant 5 : i32
      %mul3A_440 = arith.muli %add3A_423, %mul3A_439 : i32
      %add3A_441 = arith.constant 1 : i32
      %add3A_442 = arith.addi %mul3A_440, %add3A_441 : i32
      %dma_start3A_443 = arith.constant 0 : i32
      %dma_start3A_444 = arith.constant 128 : i32
      %dma_start3A_445 = arith.constant 0 : i32
      %dma_start3A_446 = tpu.memref_slice %arg6[%dma_start3A_443, %dma_start3A_444, %dma_start3A_445] : memref<2x640x64xf32, #tpu.memory_space<vmem>> -> memref<1x128x64xf32, #tpu.memory_space<vmem>>
      %dma_start3A_447 = tpu.memref_squeeze %dma_start3A_446 : memref<1x128x64xf32, #tpu.memory_space<vmem>> -> memref<128x64xf32, #tpu.memory_space<vmem>>
      %dma_start3A_448 = arith.constant 0 : i32
      %dma_start3A_449 = tpu.memref_slice %arg5[%add3A_442, %dma_start3A_448] : memref<200x128xi32, #tpu.memory_space<vmem>> -> memref<1x128xi32, #tpu.memory_space<vmem>>
      %dma_start3A_450 = tpu.memref_squeeze %dma_start3A_449 : memref<1x128xi32, #tpu.memory_space<vmem>> -> memref<128xi32, #tpu.memory_space<vmem>>
      %dma_start3A_451 = arith.constant 0 : i32
      %dma_start3A_452 = arith.constant 0 : i32
      %dma_start3A_453 = tpu.memref_slice %arg3[%dma_start3A_451, %dma_start3A_452] : memref<1000000x64xf32, #tpu.memory_space<hbm>> -> memref<1000000x64xf32, #tpu.memory_space<hbm>>
      tpu.enqueue_indirect_dma source(%dma_start3A_453 : memref<1000000x64xf32, #tpu.memory_space<hbm>>) target(%dma_start3A_447 : memref<128x64xf32, #tpu.memory_space<vmem>>) offsets(%dma_start3A_450 : memref<128xi32, #tpu.memory_space<vmem>>) semaphore(%arg7 : memref<!tpu.dma_semaphore, #tpu.memory_space<semaphore_mem>>)
      %mul3A_454 = arith.constant 5 : i32
      %mul3A_455 = arith.muli %add3A_423, %mul3A_454 : i32
      %add3A_456 = arith.constant 2 : i32
      %add3A_457 = arith.addi %mul3A_455, %add3A_456 : i32
      %dma_start3A_458 = arith.constant 0 : i32
      %dma_start3A_459 = arith.constant 256 : i32
      %dma_start3A_460 = arith.constant 0 : i32
      %dma_start3A_461 = tpu.memref_slice %arg6[%dma_start3A_458, %dma_start3A_459, %dma_start3A_460] : memref<2x640x64xf32, #tpu.memory_space<vmem>> -> memref<1x128x64xf32, #tpu.memory_space<vmem>>
      %dma_start3A_462 = tpu.memref_squeeze %dma_start3A_461 : memref<1x128x64xf32, #tpu.memory_space<vmem>> -> memref<128x64xf32, #tpu.memory_space<vmem>>
      %dma_start3A_463 = arith.constant 0 : i32
      %dma_start3A_464 = tpu.memref_slice %arg5[%add3A_457, %dma_start3A_463] : memref<200x128xi32, #tpu.memory_space<vmem>> -> memref<1x128xi32, #tpu.memory_space<vmem>>
      %dma_start3A_465 = tpu.memref_squeeze %dma_start3A_464 : memref<1x128xi32, #tpu.memory_space<vmem>> -> memref<128xi32, #tpu.memory_space<vmem>>
      %dma_start3A_466 = arith.constant 0 : i32
      %dma_start3A_467 = arith.constant 0 : i32
      %dma_start3A_468 = tpu.memref_slice %arg3[%dma_start3A_466, %dma_start3A_467] : memref<1000000x64xf32, #tpu.memory_space<hbm>> -> memref<1000000x64xf32, #tpu.memory_space<hbm>>
      tpu.enqueue_indirect_dma source(%dma_start3A_468 : memref<1000000x64xf32, #tpu.memory_space<hbm>>) target(%dma_start3A_462 : memref<128x64xf32, #tpu.memory_space<vmem>>) offsets(%dma_start3A_465 : memref<128xi32, #tpu.memory_space<vmem>>) semaphore(%arg7 : memref<!tpu.dma_semaphore, #tpu.memory_space<semaphore_mem>>)
      %mul3A_469 = arith.constant 5 : i32
      %mul3A_470 = arith.muli %add3A_423, %mul3A_469 : i32
      %add3A_471 = arith.constant 3 : i32
      %add3A_472 = arith.addi %mul3A_470, %add3A_471 : i32
      %dma_start3A_473 = arith.constant 0 : i32
      %dma_start3A_474 = arith.constant 384 : i32
      %dma_start3A_475 = arith.constant 0 : i32
      %dma_start3A_476 = tpu.memref_slice %arg6[%dma_start3A_473, %dma_start3A_474, %dma_start3A_475] : memref<2x640x64xf32, #tpu.memory_space<vmem>> -> memref<1x128x64xf32, #tpu.memory_space<vmem>>
      %dma_start3A_477 = tpu.memref_squeeze %dma_start3A_476 : memref<1x128x64xf32, #tpu.memory_space<vmem>> -> memref<128x64xf32, #tpu.memory_space<vmem>>
      %dma_start3A_478 = arith.constant 0 : i32
      %dma_start3A_479 = tpu.memref_slice %arg5[%add3A_472, %dma_start3A_478] : memref<200x128xi32, #tpu.memory_space<vmem>> -> memref<1x128xi32, #tpu.memory_space<vmem>>
      %dma_start3A_480 = tpu.memref_squeeze %dma_start3A_479 : memref<1x128xi32, #tpu.memory_space<vmem>> -> memref<128xi32, #tpu.memory_space<vmem>>
      %dma_start3A_481 = arith.constant 0 : i32
      %dma_start3A_482 = arith.constant 0 : i32
      %dma_start3A_483 = tpu.memref_slice %arg3[%dma_start3A_481, %dma_start3A_482] : memref<1000000x64xf32, #tpu.memory_space<hbm>> -> memref<1000000x64xf32, #tpu.memory_space<hbm>>
      tpu.enqueue_indirect_dma source(%dma_start3A_483 : memref<1000000x64xf32, #tpu.memory_space<hbm>>) target(%dma_start3A_477 : memref<128x64xf32, #tpu.memory_space<vmem>>) offsets(%dma_start3A_480 : memref<128xi32, #tpu.memory_space<vmem>>) semaphore(%arg7 : memref<!tpu.dma_semaphore, #tpu.memory_space<semaphore_mem>>)
      %mul3A_484 = arith.constant 5 : i32
      %mul3A_485 = arith.muli %add3A_423, %mul3A_484 : i32
      %add3A_486 = arith.constant 4 : i32
      %add3A_487 = arith.addi %mul3A_485, %add3A_486 : i32
      %dma_start3A_488 = arith.constant 0 : i32
      %dma_start3A_489 = arith.constant 512 : i32
      %dma_start3A_490 = arith.constant 0 : i32
      %dma_start3A_491 = tpu.memref_slice %arg6[%dma_start3A_488, %dma_start3A_489, %dma_start3A_490] : memref<2x640x64xf32, #tpu.memory_space<vmem>> -> memref<1x128x64xf32, #tpu.memory_space<vmem>>
      %dma_start3A_492 = tpu.memref_squeeze %dma_start3A_491 : memref<1x128x64xf32, #tpu.memory_space<vmem>> -> memref<128x64xf32, #tpu.memory_space<vmem>>
      %dma_start3A_493 = arith.constant 0 : i32
      %dma_start3A_494 = tpu.memref_slice %arg5[%add3A_487, %dma_start3A_493] : memref<200x128xi32, #tpu.memory_space<vmem>> -> memref<1x128xi32, #tpu.memory_space<vmem>>
      %dma_start3A_495 = tpu.memref_squeeze %dma_start3A_494 : memref<1x128xi32, #tpu.memory_space<vmem>> -> memref<128xi32, #tpu.memory_space<vmem>>
      %dma_start3A_496 = arith.constant 0 : i32
      %dma_start3A_497 = arith.constant 0 : i32
      %dma_start3A_498 = tpu.memref_slice %arg3[%dma_start3A_496, %dma_start3A_497] : memref<1000000x64xf32, #tpu.memory_space<hbm>> -> memref<1000000x64xf32, #tpu.memory_space<hbm>>
      tpu.enqueue_indirect_dma source(%dma_start3A_498 : memref<1000000x64xf32, #tpu.memory_space<hbm>>) target(%dma_start3A_492 : memref<128x64xf32, #tpu.memory_space<vmem>>) offsets(%dma_start3A_495 : memref<128xi32, #tpu.memory_space<vmem>>) semaphore(%arg7 : memref<!tpu.dma_semaphore, #tpu.memory_space<semaphore_mem>>)
      %add3A_499 = arith.constant 1 : i32
      %add3A_500 = arith.addi %add3A_313, %add3A_499 : i32
      %mul3A_501 = arith.constant 5 : i32
      %mul3A_502 = arith.muli %add3A_500, %mul3A_501 : i32
      %add3A_503 = arith.constant 0 : i32
      %add3A_504 = arith.addi %mul3A_502, %add3A_503 : i32
      %dma_wait3A_505 = arith.constant 0 : i32
      %dma_wait3A_506 = arith.constant 0 : i32
      %dma_wait3A_507 = arith.constant 0 : i32
      %dma_wait3A_508 = tpu.memref_slice %arg6[%dma_wait3A_505, %dma_wait3A_506, %dma_wait3A_507] : memref<2x640x64xf32, #tpu.memory_space<vmem>> -> memref<1x128x64xf32, #tpu.memory_space<vmem>>
      %dma_wait3A_509 = tpu.memref_squeeze %dma_wait3A_508 : memref<1x128x64xf32, #tpu.memory_space<vmem>> -> memref<128x64xf32, #tpu.memory_space<vmem>>
      %dma_wait3A_510 = arith.constant 0 : i32
      %dma_wait3A_511 = tpu.memref_slice %arg5[%add3A_504, %dma_wait3A_510] : memref<200x128xi32, #tpu.memory_space<vmem>> -> memref<1x128xi32, #tpu.memory_space<vmem>>
      %dma_wait3A_512 = tpu.memref_squeeze %dma_wait3A_511 : memref<1x128xi32, #tpu.memory_space<vmem>> -> memref<128xi32, #tpu.memory_space<vmem>>
      %dma_wait3A_513 = arith.constant 0 : i32
      %dma_wait3A_514 = arith.constant 0 : i32
      %dma_wait3A_515 = tpu.memref_slice %arg3[%dma_wait3A_513, %dma_wait3A_514] : memref<1000000x64xf32, #tpu.memory_space<hbm>> -> memref<1000000x64xf32, #tpu.memory_space<hbm>>
      tpu.wait_indirect_dma semaphore(%arg7 : memref<!tpu.dma_semaphore, #tpu.memory_space<semaphore_mem>>) src(%dma_wait3A_515 : memref<1000000x64xf32, #tpu.memory_space<hbm>>) dst(%dma_wait3A_509 : memref<128x64xf32, #tpu.memory_space<vmem>>)
      %mul3A_516 = arith.constant 5 : i32
      %mul3A_517 = arith.muli %add3A_500, %mul3A_516 : i32
      %add3A_518 = arith.constant 1 : i32
      %add3A_519 = arith.addi %mul3A_517, %add3A_518 : i32
      %dma_wait3A_520 = arith.constant 0 : i32
      %dma_wait3A_521 = arith.constant 128 : i32
      %dma_wait3A_522 = arith.constant 0 : i32
      %dma_wait3A_523 = tpu.memref_slice %arg6[%dma_wait3A_520, %dma_wait3A_521, %dma_wait3A_522] : memref<2x640x64xf32, #tpu.memory_space<vmem>> -> memref<1x128x64xf32, #tpu.memory_space<vmem>>
      %dma_wait3A_524 = tpu.memref_squeeze %dma_wait3A_523 : memref<1x128x64xf32, #tpu.memory_space<vmem>> -> memref<128x64xf32, #tpu.memory_space<vmem>>
      %dma_wait3A_525 = arith.constant 0 : i32
      %dma_wait3A_526 = tpu.memref_slice %arg5[%add3A_519, %dma_wait3A_525] : memref<200x128xi32, #tpu.memory_space<vmem>> -> memref<1x128xi32, #tpu.memory_space<vmem>>
      %dma_wait3A_527 = tpu.memref_squeeze %dma_wait3A_526 : memref<1x128xi32, #tpu.memory_space<vmem>> -> memref<128xi32, #tpu.memory_space<vmem>>
      %dma_wait3A_528 = arith.constant 0 : i32
      %dma_wait3A_529 = arith.constant 0 : i32
      %dma_wait3A_530 = tpu.memref_slice %arg3[%dma_wait3A_528, %dma_wait3A_529] : memref<1000000x64xf32, #tpu.memory_space<hbm>> -> memref<1000000x64xf32, #tpu.memory_space<hbm>>
      tpu.wait_indirect_dma semaphore(%arg7 : memref<!tpu.dma_semaphore, #tpu.memory_space<semaphore_mem>>) src(%dma_wait3A_530 : memref<1000000x64xf32, #tpu.memory_space<hbm>>) dst(%dma_wait3A_524 : memref<128x64xf32, #tpu.memory_space<vmem>>)
      %mul3A_531 = arith.constant 5 : i32
      %mul3A_532 = arith.muli %add3A_500, %mul3A_531 : i32
      %add3A_533 = arith.constant 2 : i32
      %add3A_534 = arith.addi %mul3A_532, %add3A_533 : i32
      %dma_wait3A_535 = arith.constant 0 : i32
      %dma_wait3A_536 = arith.constant 256 : i32
      %dma_wait3A_537 = arith.constant 0 : i32
      %dma_wait3A_538 = tpu.memref_slice %arg6[%dma_wait3A_535, %dma_wait3A_536, %dma_wait3A_537] : memref<2x640x64xf32, #tpu.memory_space<vmem>> -> memref<1x128x64xf32, #tpu.memory_space<vmem>>
      %dma_wait3A_539 = tpu.memref_squeeze %dma_wait3A_538 : memref<1x128x64xf32, #tpu.memory_space<vmem>> -> memref<128x64xf32, #tpu.memory_space<vmem>>
      %dma_wait3A_540 = arith.constant 0 : i32
      %dma_wait3A_541 = tpu.memref_slice %arg5[%add3A_534, %dma_wait3A_540] : memref<200x128xi32, #tpu.memory_space<vmem>> -> memref<1x128xi32, #tpu.memory_space<vmem>>
      %dma_wait3A_542 = tpu.memref_squeeze %dma_wait3A_541 : memref<1x128xi32, #tpu.memory_space<vmem>> -> memref<128xi32, #tpu.memory_space<vmem>>
      %dma_wait3A_543 = arith.constant 0 : i32
      %dma_wait3A_544 = arith.constant 0 : i32
      %dma_wait3A_545 = tpu.memref_slice %arg3[%dma_wait3A_543, %dma_wait3A_544] : memref<1000000x64xf32, #tpu.memory_space<hbm>> -> memref<1000000x64xf32, #tpu.memory_space<hbm>>
      tpu.wait_indirect_dma semaphore(%arg7 : memref<!tpu.dma_semaphore, #tpu.memory_space<semaphore_mem>>) src(%dma_wait3A_545 : memref<1000000x64xf32, #tpu.memory_space<hbm>>) dst(%dma_wait3A_539 : memref<128x64xf32, #tpu.memory_space<vmem>>)
      %mul3A_546 = arith.constant 5 : i32
      %mul3A_547 = arith.muli %add3A_500, %mul3A_546 : i32
      %add3A_548 = arith.constant 3 : i32
      %add3A_549 = arith.addi %mul3A_547, %add3A_548 : i32
      %dma_wait3A_550 = arith.constant 0 : i32
      %dma_wait3A_551 = arith.constant 384 : i32
      %dma_wait3A_552 = arith.constant 0 : i32
      %dma_wait3A_553 = tpu.memref_slice %arg6[%dma_wait3A_550, %dma_wait3A_551, %dma_wait3A_552] : memref<2x640x64xf32, #tpu.memory_space<vmem>> -> memref<1x128x64xf32, #tpu.memory_space<vmem>>
      %dma_wait3A_554 = tpu.memref_squeeze %dma_wait3A_553 : memref<1x128x64xf32, #tpu.memory_space<vmem>> -> memref<128x64xf32, #tpu.memory_space<vmem>>
      %dma_wait3A_555 = arith.constant 0 : i32
      %dma_wait3A_556 = tpu.memref_slice %arg5[%add3A_549, %dma_wait3A_555] : memref<200x128xi32, #tpu.memory_space<vmem>> -> memref<1x128xi32, #tpu.memory_space<vmem>>
      %dma_wait3A_557 = tpu.memref_squeeze %dma_wait3A_556 : memref<1x128xi32, #tpu.memory_space<vmem>> -> memref<128xi32, #tpu.memory_space<vmem>>
      %dma_wait3A_558 = arith.constant 0 : i32
      %dma_wait3A_559 = arith.constant 0 : i32
      %dma_wait3A_560 = tpu.memref_slice %arg3[%dma_wait3A_558, %dma_wait3A_559] : memref<1000000x64xf32, #tpu.memory_space<hbm>> -> memref<1000000x64xf32, #tpu.memory_space<hbm>>
      tpu.wait_indirect_dma semaphore(%arg7 : memref<!tpu.dma_semaphore, #tpu.memory_space<semaphore_mem>>) src(%dma_wait3A_560 : memref<1000000x64xf32, #tpu.memory_space<hbm>>) dst(%dma_wait3A_554 : memref<128x64xf32, #tpu.memory_space<vmem>>)
      %mul3A_561 = arith.constant 5 : i32
      %mul3A_562 = arith.muli %add3A_500, %mul3A_561 : i32
      %add3A_563 = arith.constant 4 : i32
      %add3A_564 = arith.addi %mul3A_562, %add3A_563 : i32
      %dma_wait3A_565 = arith.constant 0 : i32
      %dma_wait3A_566 = arith.constant 512 : i32
      %dma_wait3A_567 = arith.constant 0 : i32
      %dma_wait3A_568 = tpu.memref_slice %arg6[%dma_wait3A_565, %dma_wait3A_566, %dma_wait3A_567] : memref<2x640x64xf32, #tpu.memory_space<vmem>> -> memref<1x128x64xf32, #tpu.memory_space<vmem>>
      %dma_wait3A_569 = tpu.memref_squeeze %dma_wait3A_568 : memref<1x128x64xf32, #tpu.memory_space<vmem>> -> memref<128x64xf32, #tpu.memory_space<vmem>>
      %dma_wait3A_570 = arith.constant 0 : i32
      %dma_wait3A_571 = tpu.memref_slice %arg5[%add3A_564, %dma_wait3A_570] : memref<200x128xi32, #tpu.memory_space<vmem>> -> memref<1x128xi32, #tpu.memory_space<vmem>>
      %dma_wait3A_572 = tpu.memref_squeeze %dma_wait3A_571 : memref<1x128xi32, #tpu.memory_space<vmem>> -> memref<128xi32, #tpu.memory_space<vmem>>
      %dma_wait3A_573 = arith.constant 0 : i32
      %dma_wait3A_574 = arith.constant 0 : i32
      %dma_wait3A_575 = tpu.memref_slice %arg3[%dma_wait3A_573, %dma_wait3A_574] : memref<1000000x64xf32, #tpu.memory_space<hbm>> -> memref<1000000x64xf32, #tpu.memory_space<hbm>>
      tpu.wait_indirect_dma semaphore(%arg7 : memref<!tpu.dma_semaphore, #tpu.memory_space<semaphore_mem>>) src(%dma_wait3A_575 : memref<1000000x64xf32, #tpu.memory_space<hbm>>) dst(%dma_wait3A_569 : memref<128x64xf32, #tpu.memory_space<vmem>>)
      %add3A_576 = arith.constant 1 : i32
      %add3A_577 = arith.addi %add3A_313, %add3A_576 : i32
      %mul3A_578 = arith.constant 640 : i32
      %mul3A_579 = arith.muli %add3A_577, %mul3A_578 : i32
      %add3A_580 = arith.addi %mul3A_2, %mul3A_579 : i32
      %dma_start3A_581 = arith.constant 0 : i32
      %dma_start3A_582 = arith.constant 0 : i32
      %dma_start3A_583 = arith.constant 0 : i32
      %dma_start3A_584 = tpu.memref_slice %arg6[%dma_start3A_581, %dma_start3A_582, %dma_start3A_583] : memref<2x640x64xf32, #tpu.memory_space<vmem>> -> memref<1x640x64xf32, #tpu.memory_space<vmem>>
      %dma_start3A_585 = tpu.memref_squeeze %dma_start3A_584 : memref<1x640x64xf32, #tpu.memory_space<vmem>> -> memref<640x64xf32, #tpu.memory_space<vmem>>
      %dma_start3A_586 = arith.constant 0 : i32
      %dma_start3A_587 = tpu.memref_slice %arg4[%add3A_580, %dma_start3A_586] : memref<819200x64xf32, #tpu.memory_space<hbm>> -> memref<640x64xf32, #tpu.memory_space<hbm>>
      %dma_start3A_588 = arith.constant 0 : i32
      %dma_start3A_589 = tpu.memref_slice %arg4[%add3A_580, %dma_start3A_588] : memref<819200x64xf32, #tpu.memory_space<hbm>> -> memref<640x64xf32, #tpu.memory_space<hbm>>
      %dma_start3A_590 = arith.constant 0 : i32
      %dma_start3A_591 = arith.constant 0 : i32
      %dma_start3A_592 = tpu.memref_slice %arg6[%dma_start3A_581, %dma_start3A_590, %dma_start3A_591] : memref<2x640x64xf32, #tpu.memory_space<vmem>> -> memref<1x640x64xf32, #tpu.memory_space<vmem>>
      %dma_start3A_593 = tpu.memref_squeeze %dma_start3A_592 : memref<1x640x64xf32, #tpu.memory_space<vmem>> -> memref<640x64xf32, #tpu.memory_space<vmem>>
      tpu.enqueue_dma source(%dma_start3A_593 : memref<640x64xf32, #tpu.memory_space<vmem>>) target(%dma_start3A_589 : memref<640x64xf32, #tpu.memory_space<hbm>>) target_semaphore(%arg8 : memref<!tpu.dma_semaphore, #tpu.memory_space<semaphore_mem>>)
      %mul3A_594 = arith.constant 640 : i32
      %mul3A_595 = arith.muli %add3A_313, %mul3A_594 : i32
      %add3A_596 = arith.addi %mul3A_2, %mul3A_595 : i32
      %dma_wait3A_597 = arith.constant 1 : i32
      %dma_wait3A_598 = arith.constant 0 : i32
      %dma_wait3A_599 = arith.constant 0 : i32
      %dma_wait3A_600 = tpu.memref_slice %arg6[%dma_wait3A_597, %dma_wait3A_598, %dma_wait3A_599] : memref<2x640x64xf32, #tpu.memory_space<vmem>> -> memref<1x640x64xf32, #tpu.memory_space<vmem>>
      %dma_wait3A_601 = tpu.memref_squeeze %dma_wait3A_600 : memref<1x640x64xf32, #tpu.memory_space<vmem>> -> memref<640x64xf32, #tpu.memory_space<vmem>>
      %dma_wait3A_602 = arith.constant 0 : i32
      %dma_wait3A_603 = tpu.memref_slice %arg4[%add3A_596, %dma_wait3A_602] : memref<819200x64xf32, #tpu.memory_space<hbm>> -> memref<640x64xf32, #tpu.memory_space<hbm>>
      %dma_wait3A_604 = arith.constant 0 : i32
      %dma_wait3A_605 = tpu.memref_slice %arg4[%add3A_596, %dma_wait3A_604] : memref<819200x64xf32, #tpu.memory_space<hbm>> -> memref<640x64xf32, #tpu.memory_space<hbm>>
      %dma_wait3A_606 = arith.constant 0 : i32
      %dma_wait3A_607 = arith.constant 0 : i32
      %dma_wait3A_608 = tpu.memref_slice %arg6[%dma_wait3A_597, %dma_wait3A_606, %dma_wait3A_607] : memref<2x640x64xf32, #tpu.memory_space<vmem>> -> memref<1x640x64xf32, #tpu.memory_space<vmem>>
      %dma_wait3A_609 = tpu.memref_squeeze %dma_wait3A_608 : memref<1x640x64xf32, #tpu.memory_space<vmem>> -> memref<640x64xf32, #tpu.memory_space<vmem>>
      tpu.wait_dma2 semaphore(%arg8 : memref<!tpu.dma_semaphore, #tpu.memory_space<semaphore_mem>>) src(%dma_wait3A_609 : memref<640x64xf32, #tpu.memory_space<vmem>>) dst(%dma_wait3A_605 : memref<640x64xf32, #tpu.memory_space<hbm>>)
      %add3A_610 = arith.constant 2 : i32
      %add3A_611 = arith.addi %add3A_313, %add3A_610 : i32
      %mul3A_612 = arith.constant 5 : i32
      %mul3A_613 = arith.muli %add3A_611, %mul3A_612 : i32
      %add3A_614 = arith.constant 0 : i32
      %add3A_615 = arith.addi %mul3A_613, %add3A_614 : i32
      %dma_start3A_616 = arith.constant 1 : i32
      %dma_start3A_617 = arith.constant 0 : i32
      %dma_start3A_618 = arith.constant 0 : i32
      %dma_start3A_619 = tpu.memref_slice %arg6[%dma_start3A_616, %dma_start3A_617, %dma_start3A_618] : memref<2x640x64xf32, #tpu.memory_space<vmem>> -> memref<1x128x64xf32, #tpu.memory_space<vmem>>
      %dma_start3A_620 = tpu.memref_squeeze %dma_start3A_619 : memref<1x128x64xf32, #tpu.memory_space<vmem>> -> memref<128x64xf32, #tpu.memory_space<vmem>>
      %dma_start3A_621 = arith.constant 0 : i32
      %dma_start3A_622 = tpu.memref_slice %arg5[%add3A_615, %dma_start3A_621] : memref<200x128xi32, #tpu.memory_space<vmem>> -> memref<1x128xi32, #tpu.memory_space<vmem>>
      %dma_start3A_623 = tpu.memref_squeeze %dma_start3A_622 : memref<1x128xi32, #tpu.memory_space<vmem>> -> memref<128xi32, #tpu.memory_space<vmem>>
      %dma_start3A_624 = arith.constant 0 : i32
      %dma_start3A_625 = arith.constant 0 : i32
      %dma_start3A_626 = tpu.memref_slice %arg3[%dma_start3A_624, %dma_start3A_625] : memref<1000000x64xf32, #tpu.memory_space<hbm>> -> memref<1000000x64xf32, #tpu.memory_space<hbm>>
      tpu.enqueue_indirect_dma source(%dma_start3A_626 : memref<1000000x64xf32, #tpu.memory_space<hbm>>) target(%dma_start3A_620 : memref<128x64xf32, #tpu.memory_space<vmem>>) offsets(%dma_start3A_623 : memref<128xi32, #tpu.memory_space<vmem>>) semaphore(%arg7 : memref<!tpu.dma_semaphore, #tpu.memory_space<semaphore_mem>>)
      %mul3A_627 = arith.constant 5 : i32
      %mul3A_628 = arith.muli %add3A_611, %mul3A_627 : i32
      %add3A_629 = arith.constant 1 : i32
      %add3A_630 = arith.addi %mul3A_628, %add3A_629 : i32
      %dma_start3A_631 = arith.constant 1 : i32
      %dma_start3A_632 = arith.constant 128 : i32
      %dma_start3A_633 = arith.constant 0 : i32
      %dma_start3A_634 = tpu.memref_slice %arg6[%dma_start3A_631, %dma_start3A_632, %dma_start3A_633] : memref<2x640x64xf32, #tpu.memory_space<vmem>> -> memref<1x128x64xf32, #tpu.memory_space<vmem>>
      %dma_start3A_635 = tpu.memref_squeeze %dma_start3A_634 : memref<1x128x64xf32, #tpu.memory_space<vmem>> -> memref<128x64xf32, #tpu.memory_space<vmem>>
      %dma_start3A_636 = arith.constant 0 : i32
      %dma_start3A_637 = tpu.memref_slice %arg5[%add3A_630, %dma_start3A_636] : memref<200x128xi32, #tpu.memory_space<vmem>> -> memref<1x128xi32, #tpu.memory_space<vmem>>
      %dma_start3A_638 = tpu.memref_squeeze %dma_start3A_637 : memref<1x128xi32, #tpu.memory_space<vmem>> -> memref<128xi32, #tpu.memory_space<vmem>>
      %dma_start3A_639 = arith.constant 0 : i32
      %dma_start3A_640 = arith.constant 0 : i32
      %dma_start3A_641 = tpu.memref_slice %arg3[%dma_start3A_639, %dma_start3A_640] : memref<1000000x64xf32, #tpu.memory_space<hbm>> -> memref<1000000x64xf32, #tpu.memory_space<hbm>>
      tpu.enqueue_indirect_dma source(%dma_start3A_641 : memref<1000000x64xf32, #tpu.memory_space<hbm>>) target(%dma_start3A_635 : memref<128x64xf32, #tpu.memory_space<vmem>>) offsets(%dma_start3A_638 : memref<128xi32, #tpu.memory_space<vmem>>) semaphore(%arg7 : memref<!tpu.dma_semaphore, #tpu.memory_space<semaphore_mem>>)
      %mul3A_642 = arith.constant 5 : i32
      %mul3A_643 = arith.muli %add3A_611, %mul3A_642 : i32
      %add3A_644 = arith.constant 2 : i32
      %add3A_645 = arith.addi %mul3A_643, %add3A_644 : i32
      %dma_start3A_646 = arith.constant 1 : i32
      %dma_start3A_647 = arith.constant 256 : i32
      %dma_start3A_648 = arith.constant 0 : i32
      %dma_start3A_649 = tpu.memref_slice %arg6[%dma_start3A_646, %dma_start3A_647, %dma_start3A_648] : memref<2x640x64xf32, #tpu.memory_space<vmem>> -> memref<1x128x64xf32, #tpu.memory_space<vmem>>
      %dma_start3A_650 = tpu.memref_squeeze %dma_start3A_649 : memref<1x128x64xf32, #tpu.memory_space<vmem>> -> memref<128x64xf32, #tpu.memory_space<vmem>>
      %dma_start3A_651 = arith.constant 0 : i32
      %dma_start3A_652 = tpu.memref_slice %arg5[%add3A_645, %dma_start3A_651] : memref<200x128xi32, #tpu.memory_space<vmem>> -> memref<1x128xi32, #tpu.memory_space<vmem>>
      %dma_start3A_653 = tpu.memref_squeeze %dma_start3A_652 : memref<1x128xi32, #tpu.memory_space<vmem>> -> memref<128xi32, #tpu.memory_space<vmem>>
      %dma_start3A_654 = arith.constant 0 : i32
      %dma_start3A_655 = arith.constant 0 : i32
      %dma_start3A_656 = tpu.memref_slice %arg3[%dma_start3A_654, %dma_start3A_655] : memref<1000000x64xf32, #tpu.memory_space<hbm>> -> memref<1000000x64xf32, #tpu.memory_space<hbm>>
      tpu.enqueue_indirect_dma source(%dma_start3A_656 : memref<1000000x64xf32, #tpu.memory_space<hbm>>) target(%dma_start3A_650 : memref<128x64xf32, #tpu.memory_space<vmem>>) offsets(%dma_start3A_653 : memref<128xi32, #tpu.memory_space<vmem>>) semaphore(%arg7 : memref<!tpu.dma_semaphore, #tpu.memory_space<semaphore_mem>>)
      %mul3A_657 = arith.constant 5 : i32
      %mul3A_658 = arith.muli %add3A_611, %mul3A_657 : i32
      %add3A_659 = arith.constant 3 : i32
      %add3A_660 = arith.addi %mul3A_658, %add3A_659 : i32
      %dma_start3A_661 = arith.constant 1 : i32
      %dma_start3A_662 = arith.constant 384 : i32
      %dma_start3A_663 = arith.constant 0 : i32
      %dma_start3A_664 = tpu.memref_slice %arg6[%dma_start3A_661, %dma_start3A_662, %dma_start3A_663] : memref<2x640x64xf32, #tpu.memory_space<vmem>> -> memref<1x128x64xf32, #tpu.memory_space<vmem>>
      %dma_start3A_665 = tpu.memref_squeeze %dma_start3A_664 : memref<1x128x64xf32, #tpu.memory_space<vmem>> -> memref<128x64xf32, #tpu.memory_space<vmem>>
      %dma_start3A_666 = arith.constant 0 : i32
      %dma_start3A_667 = tpu.memref_slice %arg5[%add3A_660, %dma_start3A_666] : memref<200x128xi32, #tpu.memory_space<vmem>> -> memref<1x128xi32, #tpu.memory_space<vmem>>
      %dma_start3A_668 = tpu.memref_squeeze %dma_start3A_667 : memref<1x128xi32, #tpu.memory_space<vmem>> -> memref<128xi32, #tpu.memory_space<vmem>>
      %dma_start3A_669 = arith.constant 0 : i32
      %dma_start3A_670 = arith.constant 0 : i32
      %dma_start3A_671 = tpu.memref_slice %arg3[%dma_start3A_669, %dma_start3A_670] : memref<1000000x64xf32, #tpu.memory_space<hbm>> -> memref<1000000x64xf32, #tpu.memory_space<hbm>>
      tpu.enqueue_indirect_dma source(%dma_start3A_671 : memref<1000000x64xf32, #tpu.memory_space<hbm>>) target(%dma_start3A_665 : memref<128x64xf32, #tpu.memory_space<vmem>>) offsets(%dma_start3A_668 : memref<128xi32, #tpu.memory_space<vmem>>) semaphore(%arg7 : memref<!tpu.dma_semaphore, #tpu.memory_space<semaphore_mem>>)
      %mul3A_672 = arith.constant 5 : i32
      %mul3A_673 = arith.muli %add3A_611, %mul3A_672 : i32
      %add3A_674 = arith.constant 4 : i32
      %add3A_675 = arith.addi %mul3A_673, %add3A_674 : i32
      %dma_start3A_676 = arith.constant 1 : i32
      %dma_start3A_677 = arith.constant 512 : i32
      %dma_start3A_678 = arith.constant 0 : i32
      %dma_start3A_679 = tpu.memref_slice %arg6[%dma_start3A_676, %dma_start3A_677, %dma_start3A_678] : memref<2x640x64xf32, #tpu.memory_space<vmem>> -> memref<1x128x64xf32, #tpu.memory_space<vmem>>
      %dma_start3A_680 = tpu.memref_squeeze %dma_start3A_679 : memref<1x128x64xf32, #tpu.memory_space<vmem>> -> memref<128x64xf32, #tpu.memory_space<vmem>>
      %dma_start3A_681 = arith.constant 0 : i32
      %dma_start3A_682 = tpu.memref_slice %arg5[%add3A_675, %dma_start3A_681] : memref<200x128xi32, #tpu.memory_space<vmem>> -> memref<1x128xi32, #tpu.memory_space<vmem>>
      %dma_start3A_683 = tpu.memref_squeeze %dma_start3A_682 : memref<1x128xi32, #tpu.memory_space<vmem>> -> memref<128xi32, #tpu.memory_space<vmem>>
      %dma_start3A_684 = arith.constant 0 : i32
      %dma_start3A_685 = arith.constant 0 : i32
      %dma_start3A_686 = tpu.memref_slice %arg3[%dma_start3A_684, %dma_start3A_685] : memref<1000000x64xf32, #tpu.memory_space<hbm>> -> memref<1000000x64xf32, #tpu.memory_space<hbm>>
      tpu.enqueue_indirect_dma source(%dma_start3A_686 : memref<1000000x64xf32, #tpu.memory_space<hbm>>) target(%dma_start3A_680 : memref<128x64xf32, #tpu.memory_space<vmem>>) offsets(%dma_start3A_683 : memref<128xi32, #tpu.memory_space<vmem>>) semaphore(%arg7 : memref<!tpu.dma_semaphore, #tpu.memory_space<semaphore_mem>>)
    }
    %scan3A_199 = arith.constant 19 : i32
    %dma_wait3A_200 = arith.constant 195 : i32
    %dma_wait3A_201 = arith.constant 1 : i32
    %dma_wait3A_202 = arith.constant 0 : i32
    %dma_wait3A_203 = arith.constant 0 : i32
    %dma_wait3A_204 = tpu.memref_slice %arg6[%dma_wait3A_201, %dma_wait3A_202, %dma_wait3A_203] : memref<2x640x64xf32, #tpu.memory_space<vmem>> -> memref<1x128x64xf32, #tpu.memory_space<vmem>>
    %dma_wait3A_205 = tpu.memref_squeeze %dma_wait3A_204 : memref<1x128x64xf32, #tpu.memory_space<vmem>> -> memref<128x64xf32, #tpu.memory_space<vmem>>
    %dma_wait3A_206 = arith.constant 0 : i32
    %dma_wait3A_207 = tpu.memref_slice %arg5[%dma_wait3A_200, %dma_wait3A_206] : memref<200x128xi32, #tpu.memory_space<vmem>> -> memref<1x128xi32, #tpu.memory_space<vmem>>
    %dma_wait3A_208 = tpu.memref_squeeze %dma_wait3A_207 : memref<1x128xi32, #tpu.memory_space<vmem>> -> memref<128xi32, #tpu.memory_space<vmem>>
    %dma_wait3A_209 = arith.constant 0 : i32
    %dma_wait3A_210 = arith.constant 0 : i32
    %dma_wait3A_211 = tpu.memref_slice %arg3[%dma_wait3A_209, %dma_wait3A_210] : memref<1000000x64xf32, #tpu.memory_space<hbm>> -> memref<1000000x64xf32, #tpu.memory_space<hbm>>
    tpu.wait_indirect_dma semaphore(%arg7 : memref<!tpu.dma_semaphore, #tpu.memory_space<semaphore_mem>>) src(%dma_wait3A_211 : memref<1000000x64xf32, #tpu.memory_space<hbm>>) dst(%dma_wait3A_205 : memref<128x64xf32, #tpu.memory_space<vmem>>)
    %dma_wait3A_212 = arith.constant 196 : i32
    %dma_wait3A_213 = arith.constant 1 : i32
    %dma_wait3A_214 = arith.constant 128 : i32
    %dma_wait3A_215 = arith.constant 0 : i32
    %dma_wait3A_216 = tpu.memref_slice %arg6[%dma_wait3A_213, %dma_wait3A_214, %dma_wait3A_215] : memref<2x640x64xf32, #tpu.memory_space<vmem>> -> memref<1x128x64xf32, #tpu.memory_space<vmem>>
    %dma_wait3A_217 = tpu.memref_squeeze %dma_wait3A_216 : memref<1x128x64xf32, #tpu.memory_space<vmem>> -> memref<128x64xf32, #tpu.memory_space<vmem>>
    %dma_wait3A_218 = arith.constant 0 : i32
    %dma_wait3A_219 = tpu.memref_slice %arg5[%dma_wait3A_212, %dma_wait3A_218] : memref<200x128xi32, #tpu.memory_space<vmem>> -> memref<1x128xi32, #tpu.memory_space<vmem>>
    %dma_wait3A_220 = tpu.memref_squeeze %dma_wait3A_219 : memref<1x128xi32, #tpu.memory_space<vmem>> -> memref<128xi32, #tpu.memory_space<vmem>>
    %dma_wait3A_221 = arith.constant 0 : i32
    %dma_wait3A_222 = arith.constant 0 : i32
    %dma_wait3A_223 = tpu.memref_slice %arg3[%dma_wait3A_221, %dma_wait3A_222] : memref<1000000x64xf32, #tpu.memory_space<hbm>> -> memref<1000000x64xf32, #tpu.memory_space<hbm>>
    tpu.wait_indirect_dma semaphore(%arg7 : memref<!tpu.dma_semaphore, #tpu.memory_space<semaphore_mem>>) src(%dma_wait3A_223 : memref<1000000x64xf32, #tpu.memory_space<hbm>>) dst(%dma_wait3A_217 : memref<128x64xf32, #tpu.memory_space<vmem>>)
    %dma_wait3A_224 = arith.constant 197 : i32
    %dma_wait3A_225 = arith.constant 1 : i32
    %dma_wait3A_226 = arith.constant 256 : i32
    %dma_wait3A_227 = arith.constant 0 : i32
    %dma_wait3A_228 = tpu.memref_slice %arg6[%dma_wait3A_225, %dma_wait3A_226, %dma_wait3A_227] : memref<2x640x64xf32, #tpu.memory_space<vmem>> -> memref<1x128x64xf32, #tpu.memory_space<vmem>>
    %dma_wait3A_229 = tpu.memref_squeeze %dma_wait3A_228 : memref<1x128x64xf32, #tpu.memory_space<vmem>> -> memref<128x64xf32, #tpu.memory_space<vmem>>
    %dma_wait3A_230 = arith.constant 0 : i32
    %dma_wait3A_231 = tpu.memref_slice %arg5[%dma_wait3A_224, %dma_wait3A_230] : memref<200x128xi32, #tpu.memory_space<vmem>> -> memref<1x128xi32, #tpu.memory_space<vmem>>
    %dma_wait3A_232 = tpu.memref_squeeze %dma_wait3A_231 : memref<1x128xi32, #tpu.memory_space<vmem>> -> memref<128xi32, #tpu.memory_space<vmem>>
    %dma_wait3A_233 = arith.constant 0 : i32
    %dma_wait3A_234 = arith.constant 0 : i32
    %dma_wait3A_235 = tpu.memref_slice %arg3[%dma_wait3A_233, %dma_wait3A_234] : memref<1000000x64xf32, #tpu.memory_space<hbm>> -> memref<1000000x64xf32, #tpu.memory_space<hbm>>
    tpu.wait_indirect_dma semaphore(%arg7 : memref<!tpu.dma_semaphore, #tpu.memory_space<semaphore_mem>>) src(%dma_wait3A_235 : memref<1000000x64xf32, #tpu.memory_space<hbm>>) dst(%dma_wait3A_229 : memref<128x64xf32, #tpu.memory_space<vmem>>)
    %dma_wait3A_236 = arith.constant 198 : i32
    %dma_wait3A_237 = arith.constant 1 : i32
    %dma_wait3A_238 = arith.constant 384 : i32
    %dma_wait3A_239 = arith.constant 0 : i32
    %dma_wait3A_240 = tpu.memref_slice %arg6[%dma_wait3A_237, %dma_wait3A_238, %dma_wait3A_239] : memref<2x640x64xf32, #tpu.memory_space<vmem>> -> memref<1x128x64xf32, #tpu.memory_space<vmem>>
    %dma_wait3A_241 = tpu.memref_squeeze %dma_wait3A_240 : memref<1x128x64xf32, #tpu.memory_space<vmem>> -> memref<128x64xf32, #tpu.memory_space<vmem>>
    %dma_wait3A_242 = arith.constant 0 : i32
    %dma_wait3A_243 = tpu.memref_slice %arg5[%dma_wait3A_236, %dma_wait3A_242] : memref<200x128xi32, #tpu.memory_space<vmem>> -> memref<1x128xi32, #tpu.memory_space<vmem>>
    %dma_wait3A_244 = tpu.memref_squeeze %dma_wait3A_243 : memref<1x128xi32, #tpu.memory_space<vmem>> -> memref<128xi32, #tpu.memory_space<vmem>>
    %dma_wait3A_245 = arith.constant 0 : i32
    %dma_wait3A_246 = arith.constant 0 : i32
    %dma_wait3A_247 = tpu.memref_slice %arg3[%dma_wait3A_245, %dma_wait3A_246] : memref<1000000x64xf32, #tpu.memory_space<hbm>> -> memref<1000000x64xf32, #tpu.memory_space<hbm>>
    tpu.wait_indirect_dma semaphore(%arg7 : memref<!tpu.dma_semaphore, #tpu.memory_space<semaphore_mem>>) src(%dma_wait3A_247 : memref<1000000x64xf32, #tpu.memory_space<hbm>>) dst(%dma_wait3A_241 : memref<128x64xf32, #tpu.memory_space<vmem>>)
    %dma_wait3A_248 = arith.constant 199 : i32
    %dma_wait3A_249 = arith.constant 1 : i32
    %dma_wait3A_250 = arith.constant 512 : i32
    %dma_wait3A_251 = arith.constant 0 : i32
    %dma_wait3A_252 = tpu.memref_slice %arg6[%dma_wait3A_249, %dma_wait3A_250, %dma_wait3A_251] : memref<2x640x64xf32, #tpu.memory_space<vmem>> -> memref<1x128x64xf32, #tpu.memory_space<vmem>>
    %dma_wait3A_253 = tpu.memref_squeeze %dma_wait3A_252 : memref<1x128x64xf32, #tpu.memory_space<vmem>> -> memref<128x64xf32, #tpu.memory_space<vmem>>
    %dma_wait3A_254 = arith.constant 0 : i32
    %dma_wait3A_255 = tpu.memref_slice %arg5[%dma_wait3A_248, %dma_wait3A_254] : memref<200x128xi32, #tpu.memory_space<vmem>> -> memref<1x128xi32, #tpu.memory_space<vmem>>
    %dma_wait3A_256 = tpu.memref_squeeze %dma_wait3A_255 : memref<1x128xi32, #tpu.memory_space<vmem>> -> memref<128xi32, #tpu.memory_space<vmem>>
    %dma_wait3A_257 = arith.constant 0 : i32
    %dma_wait3A_258 = arith.constant 0 : i32
    %dma_wait3A_259 = tpu.memref_slice %arg3[%dma_wait3A_257, %dma_wait3A_258] : memref<1000000x64xf32, #tpu.memory_space<hbm>> -> memref<1000000x64xf32, #tpu.memory_space<hbm>>
    tpu.wait_indirect_dma semaphore(%arg7 : memref<!tpu.dma_semaphore, #tpu.memory_space<semaphore_mem>>) src(%dma_wait3A_259 : memref<1000000x64xf32, #tpu.memory_space<hbm>>) dst(%dma_wait3A_253 : memref<128x64xf32, #tpu.memory_space<vmem>>)
    %add3A_260 = arith.constant 24960 : i32
    %add3A_261 = arith.addi %mul3A_2, %add3A_260 : i32
    %dma_start3A_262 = arith.constant 1 : i32
    %dma_start3A_263 = arith.constant 0 : i32
    %dma_start3A_264 = arith.constant 0 : i32
    %dma_start3A_265 = tpu.memref_slice %arg6[%dma_start3A_262, %dma_start3A_263, %dma_start3A_264] : memref<2x640x64xf32, #tpu.memory_space<vmem>> -> memref<1x640x64xf32, #tpu.memory_space<vmem>>
    %dma_start3A_266 = tpu.memref_squeeze %dma_start3A_265 : memref<1x640x64xf32, #tpu.memory_space<vmem>> -> memref<640x64xf32, #tpu.memory_space<vmem>>
    %dma_start3A_267 = arith.constant 0 : i32
    %dma_start3A_268 = tpu.memref_slice %arg4[%add3A_261, %dma_start3A_267] : memref<819200x64xf32, #tpu.memory_space<hbm>> -> memref<640x64xf32, #tpu.memory_space<hbm>>
    %dma_start3A_269 = arith.constant 0 : i32
    %dma_start3A_270 = tpu.memref_slice %arg4[%add3A_261, %dma_start3A_269] : memref<819200x64xf32, #tpu.memory_space<hbm>> -> memref<640x64xf32, #tpu.memory_space<hbm>>
    %dma_start3A_271 = arith.constant 0 : i32
    %dma_start3A_272 = arith.constant 0 : i32
    %dma_start3A_273 = tpu.memref_slice %arg6[%dma_start3A_262, %dma_start3A_271, %dma_start3A_272] : memref<2x640x64xf32, #tpu.memory_space<vmem>> -> memref<1x640x64xf32, #tpu.memory_space<vmem>>
    %dma_start3A_274 = tpu.memref_squeeze %dma_start3A_273 : memref<1x640x64xf32, #tpu.memory_space<vmem>> -> memref<640x64xf32, #tpu.memory_space<vmem>>
    tpu.enqueue_dma source(%dma_start3A_274 : memref<640x64xf32, #tpu.memory_space<vmem>>) target(%dma_start3A_270 : memref<640x64xf32, #tpu.memory_space<hbm>>) target_semaphore(%arg8 : memref<!tpu.dma_semaphore, #tpu.memory_space<semaphore_mem>>)
    %add3A_275 = arith.constant 24320 : i32
    %add3A_276 = arith.addi %mul3A_2, %add3A_275 : i32
    %dma_wait3A_277 = arith.constant 0 : i32
    %dma_wait3A_278 = arith.constant 0 : i32
    %dma_wait3A_279 = arith.constant 0 : i32
    %dma_wait3A_280 = tpu.memref_slice %arg6[%dma_wait3A_277, %dma_wait3A_278, %dma_wait3A_279] : memref<2x640x64xf32, #tpu.memory_space<vmem>> -> memref<1x640x64xf32, #tpu.memory_space<vmem>>
    %dma_wait3A_281 = tpu.memref_squeeze %dma_wait3A_280 : memref<1x640x64xf32, #tpu.memory_space<vmem>> -> memref<640x64xf32, #tpu.memory_space<vmem>>
    %dma_wait3A_282 = arith.constant 0 : i32
    %dma_wait3A_283 = tpu.memref_slice %arg4[%add3A_276, %dma_wait3A_282] : memref<819200x64xf32, #tpu.memory_space<hbm>> -> memref<640x64xf32, #tpu.memory_space<hbm>>
    %dma_wait3A_284 = arith.constant 0 : i32
    %dma_wait3A_285 = tpu.memref_slice %arg4[%add3A_276, %dma_wait3A_284] : memref<819200x64xf32, #tpu.memory_space<hbm>> -> memref<640x64xf32, #tpu.memory_space<hbm>>
    %dma_wait3A_286 = arith.constant 0 : i32
    %dma_wait3A_287 = arith.constant 0 : i32
    %dma_wait3A_288 = tpu.memref_slice %arg6[%dma_wait3A_277, %dma_wait3A_286, %dma_wait3A_287] : memref<2x640x64xf32, #tpu.memory_space<vmem>> -> memref<1x640x64xf32, #tpu.memory_space<vmem>>
    %dma_wait3A_289 = tpu.memref_squeeze %dma_wait3A_288 : memref<1x640x64xf32, #tpu.memory_space<vmem>> -> memref<640x64xf32, #tpu.memory_space<vmem>>
    tpu.wait_dma2 semaphore(%arg8 : memref<!tpu.dma_semaphore, #tpu.memory_space<semaphore_mem>>) src(%dma_wait3A_289 : memref<640x64xf32, #tpu.memory_space<vmem>>) dst(%dma_wait3A_285 : memref<640x64xf32, #tpu.memory_space<hbm>>)
    %add3A_290 = arith.constant 24960 : i32
    %add3A_291 = arith.addi %mul3A_2, %add3A_290 : i32
    %dma_wait3A_292 = arith.constant 1 : i32
    %dma_wait3A_293 = arith.constant 0 : i32
    %dma_wait3A_294 = arith.constant 0 : i32
    %dma_wait3A_295 = tpu.memref_slice %arg6[%dma_wait3A_292, %dma_wait3A_293, %dma_wait3A_294] : memref<2x640x64xf32, #tpu.memory_space<vmem>> -> memref<1x640x64xf32, #tpu.memory_space<vmem>>
    %dma_wait3A_296 = tpu.memref_squeeze %dma_wait3A_295 : memref<1x640x64xf32, #tpu.memory_space<vmem>> -> memref<640x64xf32, #tpu.memory_space<vmem>>
    %dma_wait3A_297 = arith.constant 0 : i32
    %dma_wait3A_298 = tpu.memref_slice %arg4[%add3A_291, %dma_wait3A_297] : memref<819200x64xf32, #tpu.memory_space<hbm>> -> memref<640x64xf32, #tpu.memory_space<hbm>>
    %dma_wait3A_299 = arith.constant 0 : i32
    %dma_wait3A_300 = tpu.memref_slice %arg4[%add3A_291, %dma_wait3A_299] : memref<819200x64xf32, #tpu.memory_space<hbm>> -> memref<640x64xf32, #tpu.memory_space<hbm>>
    %dma_wait3A_301 = arith.constant 0 : i32
    %dma_wait3A_302 = arith.constant 0 : i32
    %dma_wait3A_303 = tpu.memref_slice %arg6[%dma_wait3A_292, %dma_wait3A_301, %dma_wait3A_302] : memref<2x640x64xf32, #tpu.memory_space<vmem>> -> memref<1x640x64xf32, #tpu.memory_space<vmem>>
    %dma_wait3A_304 = tpu.memref_squeeze %dma_wait3A_303 : memref<1x640x64xf32, #tpu.memory_space<vmem>> -> memref<640x64xf32, #tpu.memory_space<vmem>>
    tpu.wait_dma2 semaphore(%arg8 : memref<!tpu.dma_semaphore, #tpu.memory_space<semaphore_mem>>) src(%dma_wait3A_304 : memref<640x64xf32, #tpu.memory_space<vmem>>) dst(%dma_wait3A_300 : memref<640x64xf32, #tpu.memory_space<hbm>>)
    return
  }
}

</mosaic_0001>

<sc_bundles>
// kernel: kernel.3.cloned.1.call-start
scs
__scs_entry_jumppad:
0x0: {  	(pc) =	sbr.rel $0x88, $3  }
0x1: {  	(tag) =	ssettag $0x0;
	lr =	simm.s32 $0x1  }
0x2: {  	[smem:$0x3F9F] =	sst lr;
	_ =	strace $0xD0000000  }
0x3: {  	_ = 	snop  }
0x4: {  	_ = 	snop  }
0x5: {  	_ = 	snop  }
0x6: {  	_ = 	snop  }
0x7: {  	_ = 	snop  }
__scs_overlays_trampoline_lowered:
0x8: {  	[smem:$0x3FAE] =	sst s0  }
0x9: {  	[smem:$0x3FAF] =	sst s1  }
0xa: {  	[smem:$0x3FB0] =	sst s2  }
0xb: {  	[smem:$0x3FB1] =	sst s3  }
0xc: {  	[smem:$0x3FB2] =	sst s4  }
0xd: {  	[smem:$0x3FB3] =	sst s5  }
0xe: {  	[smem:$0x3FB4] =	sst s6  }
0xf: {  	[smem:$0x3FB5] =	sst s7  }
0x10: {  	[smem:$0x3FB6] =	sst s8  }
0x11: {  	[smem:$0x3FB7] =	sst s9;
	s0 =	simm.s32 @!p0 $0x0  }
0x12: {  	s1 =	sld [smem:$0x3F9D];
	s0 =	simm.s32 @p0 $0x1  }
0x13: {  	[smem:$0x3FB8] =	sst s0;
	s0 =	simm.s32 @!p1 $0x0  }
0x14: {  	s2 =	sld [smem:$0x3F9C];
	s0 =	simm.s32 @p1 $0x1  }
0x15: {  	[smem:$0x3FB9] =	sst s0;
	s0 =	simm.s32 @!p2 $0x0  }
0x16: {  	s3 =	sld [smem:$0x3FDB];
	s0 =	simm.s32 @p2 $0x1  }
0x17: {  	s4 =	simm.s32 $0x1BF5;
	[smem:$0x3FBB] =	sst s0  }
0x18: {  	s0 =	sld [smem:$0x3F9E];
	_ =	swait.ge [sflag:s4], $0x0  }
0x19: {  	s7 =	sld [smem:$0x3F9F]  }
0x1a: {  	s8 =	sadd.s32 $0xFFFFE003, lr  }
0x1b: {  	s9 =	sadd.s32 $0xFFFFFEF7, lr;
	s5 =	simm.s32 $0xFFFFFFFF;
	p2 =	slt.u32 s8, $0xFFFFF086  }
0x1c: {  	p1 =	slt.u32 s9, $0xF7A;
	s5 =	simm.s32 @!p2 $0x0  }
0x1d: {  	s5 =	simm.s32 @p1 $0x1;
	p0 =	seq.s32 s7, s2  }
0x1e: {  	s7 =	smul.u32 @!p0 $0xF7A, s2;
	p2 =	seq.s32 @!p0 s5, $0x0  }
0x1f: {  	s9 =	smul.u32 $0xF7A, s1;
	s8 =	simm.s32 @!p0 $0x1BF5;
	p2 =	por !p2, p0  }
0x20: {  	[sflag:s8] =	ssyncset.s32 @!p0 $0xFFFFF086;
	s6 =	sadd.s32 @!p0 s3, s7;
	s7 =	simm.s32 @!p0 $0x108  }
0x21: {  	s3 =	sadd.s32 s3, s9;
	s6 =	sadd.s32 @!p0 $0x88, s6;
	s7 =	simm.s32 @p2 $0x1082  }
0x22: {  	[simem:s7], [sflag:s8] =	dma.local @!p0 [hbm:s6], $0xF7A  }
0x23: {  	s9 =	sor.u32 $0xD0000000, s2;
	s6 =	simm.s32 $0x108;
	_ =	swait.ge @!p0 [sflag:s8], $0x0  }
0x24: {  	s3 =	sadd.s32 $0x88, s3;
	s6 =	simm.s32 @!p1 $0x1082;
	[sflag:s4] =	ssyncset.s32 $0xFFFFF086  }
0x25: {  	[simem:s6], [sflag:s4] =	dma.local [hbm:s3], $0xF7A  }
0x26: {  	[smem:$0x3F9F] =	sst s1;
	(tag) =	ssettag s2;
	_ =	strace s9  }
0x27: {  	s1 =	sld [smem:$0x3FAF]  }
0x28: {  	s2 =	sld [smem:$0x3FB0]  }
0x29: {  	s4 =	sld [smem:$0x3FB2]  }
0x2a: {  	p0 =	seq.s32 s5, $0x0;
	s5 =	sld [smem:$0x3FB3]  }
0x2b: {  	s6 =	sld [smem:$0x3FB4]  }
0x2c: {  	s7 =	sld [smem:$0x3FB5]  }
0x2d: {  	s3 =	simm.s32 $0x108;
	s8 =	sld [smem:$0x3FB6]  }
0x2e: {  	s3 =	simm.s32 @!p0 $0x1082;
	s9 =	sld [smem:$0x3FB7]  }
0x2f: {  	lr =	sadd.s32 s0, s3;
	s0 =	sld [smem:$0x3FAE]  }
0x30: {  	s3 =	sld [smem:$0x3FB1]  }
0x31: {  	[smem:$0x3FBA] =	sst s10  }
0x32: {  	s10 =	sld [smem:$0x3FB8];
	_ =	sdelay $0x3  }
0x33: {  	p0 =	seq.s32 s10, $0x1;
	s10 =	sld [smem:$0x3FBA];
	_ =	sdelay $0x3  }
0x34: {  	[smem:$0x3FBA] =	sst s10  }
0x35: {  	s10 =	sld [smem:$0x3FB9];
	_ =	sdelay $0x3  }
0x36: {  	p1 =	seq.s32 s10, $0x1;
	s10 =	sld [smem:$0x3FBA];
	_ =	sdelay $0x3  }
0x37: {  	[smem:$0x3FBA] =	sst s10  }
0x38: {  	s10 =	sld [smem:$0x3FBB]  }
0x39: {  	_ = 	snop;
	(pc) =	sbr.ind lr, $3  }
0x3a: {  	_ = 	snop  }
0x3b: {  	_ = 	snop  }
0x3c: {  	p2 =	seq.s32 s10, $0x1;
	s10 =	sld [smem:$0x3FBA]  }
0x3d: {  	_ =	shalt  }
0x3e: {  	_ =	shalt  }
0x3f: {  	_ =	shalt  }
0x40: {  	_ =	shalt  }
0x41: {  	_ =	shalt  }
0x42: {  	_ =	shalt  }
0x43: {  	_ =	shalt  }
0x44: {  	_ =	shalt  }
0x45: {  	_ =	shalt  }
0x46: {  	_ =	shalt  }
0x47: {  	_ =	shalt  }
0x48: {  	_ =	shalt  }
0x49: {  	_ =	shalt  }
0x4a: {  	_ =	shalt  }
0x4b: {  	_ =	shalt  }
0x4c: {  	_ =	shalt  }
0x4d: {  	_ =	shalt  }
0x4e: {  	_ =	shalt  }
0x4f: {  	_ =	shalt  }
0x50: {  	_ =	shalt  }
0x51: {  	_ =	shalt  }
0x52: {  	_ =	shalt  }
0x53: {  	_ =	shalt  }
0x54: {  	_ =	shalt  }
0x55: {  	_ =	shalt  }
0x56: {  	_ =	shalt  }
0x57: {  	_ =	shalt  }
0x58: {  	_ =	shalt  }
0x59: {  	_ =	shalt  }
0x5a: {  	_ =	shalt  }
0x5b: {  	_ =	shalt  }
0x5c: {  	_ =	shalt  }
0x5d: {  	_ =	shalt  }
0x5e: {  	_ =	shalt  }
0x5f: {  	_ =	shalt  }
0x60: {  	_ =	shalt  }
0x61: {  	_ =	shalt  }
0x62: {  	_ =	shalt  }
0x63: {  	_ =	shalt  }
0x64: {  	_ =	shalt  }
0x65: {  	_ =	shalt  }
0x66: {  	_ =	shalt  }
0x67: {  	_ =	shalt  }
0x68: {  	_ =	shalt  }
0x69: {  	_ =	shalt  }
0x6a: {  	_ =	shalt  }
0x6b: {  	_ =	shalt  }
0x6c: {  	_ =	shalt  }
0x6d: {  	_ =	shalt  }
0x6e: {  	_ =	shalt  }
0x6f: {  	_ =	shalt  }
0x70: {  	_ =	shalt  }
0x71: {  	_ =	shalt  }
0x72: {  	_ =	shalt  }
0x73: {  	_ =	shalt  }
0x74: {  	_ =	shalt  }
0x75: {  	_ =	shalt  }
0x76: {  	_ =	shalt  }
0x77: {  	_ =	shalt  }
0x78: {  	_ =	shalt  }
0x79: {  	_ =	shalt  }
0x7a: {  	_ =	shalt  }
0x7b: {  	_ =	shalt  }
0x7c: {  	_ =	shalt  }
0x7d: {  	_ =	shalt  }
0x7e: {  	_ =	shalt  }
0x7f: {  	_ =	shalt  }
0x80: {  	_ =	shalt  }
0x81: {  	_ =	shalt  }
0x82: {  	_ =	shalt  }
0x83: {  	_ =	shalt  }
0x84: {  	_ =	shalt  }
0x85: {  	_ =	shalt  }
0x86: {  	_ =	shalt  }
0x87: {  	_ =	shalt  }
.Lfunc_end0:
.L_simem_size_0:
called_computation.1_lowered:
.L_overlay_start_0:
0x88: {  	s2 =	sld [smem:$0x3FD9]  }
0x89: {  	s3 =	sld [smem:$0x3FFE];
	_ =	sdelay $0x1  }
0x8a: {  	s1 =	srdreg.scid  }
0x8b: {  	s0 =	sand.u32 $0x1, s1  }
0x8c: {  	s17 =	sshll.u32 s0, $0xA;
	s2 =	sadd.s32 s3, s2  }
0x8d: {  	s2 =	sadd.s32 s2, s17  }
0x8e: {  	[smem:$0x3FC6] =	sst s2  }
0x8f: {  	_ = 	snop  }
0x90: {  	s2 =	sld [smem:$0x3FD0];
	(tm) =	ssettm $0x1  }
0x91: {  	s18 =	sld [smem:$0x3FFB];
	_ =	sdelay $0x3  }
0x92: {  	_ =	strace s18  }
0x93: {  	s3 =	sld [smem:$0x3FFC];
	_ =	sdelay $0x3  }
0x94: {  	_ =	strace s3  }
0x95: {  	s3 =	sld [smem:$0x3FFD];
	_ =	sdelay $0x3  }
0x96: {  	_ =	strace s3  }
0x97: {  	_ =	strace $0x8FFFFFFF  }
0x98: {  	s19 =	sld [smem:$0x3FDB];
	_ =	sdelay $0x1  }
0x99: {  	s4 =	simm.s32 $_scs_section_size  }
0x9a: {  	s5 =	simm.s32 $_size__tile_overlayer_lowered;
	s6 =	simm.s32 $_tile_overlayer_lowered  }
0x9b: {  	s22 =	simm.s32 $0x1BFF;
	s21 =	sshll.u32 s6, $0x1;
	s3 =	sadd.s32 s4, s19  }
0x9c: {  	s7 =	simm.s32 $0x0;
	s20 =	sshll.u32 s5, $0x1;
	s5 =	sadd.s32 s21, s3  }
0x9d: {  	[timem:s7], [sflag:s22] =	dma.local [hbm:s5], s20  }
0x9e: {  	_ =	swait.ge [sflag:s22], s20  }
0x9f: {  	s4 =	ssub.s32 $0x0, s20;
	[sflag:s22] =	ssyncset.done $0x0  }
0xa0: {  	[sflag:s22] =	ssyncadd.s32 s4;
	_ =	sdelay $0x1  }
0xa1: {  	s23 =	simm.s32 $0x1B8B  }
0xa2: {  	_ =	swait.ge [sflag:s23], $0x1  }
0xa3: {  	[sflag:s23] =	ssyncset.done $0x0  }
0xa4: {  	s25 =	simm.s32 $0x1B8E;
	s24 =	sld [smem:$0x3FFE];
	[sflag:s23] =	ssyncadd.s32 $0xFFFFFFFF  }
0xa5: {  	s26 =	simm.s32 $execute0_lowered;
	[smem:$0x3FD2] =	sst s25  }
0xa6: {  	s5 =	sshll.u32 s26, $0x1;
	_ =	strace $0x80000046;
	[dreg:$0x1] =	wrdreg $0xFFFFFFFF  }
0xa7: {  	s28 =	simm.s32 $_size_execute0_lowered;
	s3 =	sadd.s32 s3, s5;
	[dreg:$0x0] =	wrdreg $0x0  }
0xa8: {  	s5 =	sshll.u32 s28, $0x1;
	[dreg:$0x2] =	wrdreg s3  }
0xa9: {  	[dreg:$0x3] =	wrdreg s5  }
0xaa: {  	[dreg:$0x4] =	wrdreg $0xC0  }
0xab: {  	_ =	task [dreg:s7], $0x5FFFF  }
0xac: {  	[dreg:$0x1] =	wrdreg $0xFFFFFFFF  }
0xad: {  	[dreg:$0x0] =	wrdreg $0x60  }
0xae: {  	[dreg:$0x2] =	wrdreg s24  }
0xaf: {  	[dreg:$0x3] =	wrdreg s2  }
0xb0: {  	[dreg:$0x4] =	wrdreg $0x9  }
0xb1: {  	_ =	task.clear_ibuf [dreg:s7], $0x5FFFF;
	_ =	strace $0x90000046  }
0xb2: {  	s29 =	simm.s32 $0x9;
	_ =	strace $0x80000048  }
0xb3: {  	_ =	swait.ge [sflag:s29], $0x1  }
0xb4: {  	[sflag:s29] =	ssyncadd.s32 $0xFFFFFFFF  }
0xb5: {  	_ =	strace $0x90000048  }
0xb6: {  	_ =	sfence  }
0xb7: {  	s30 =	sld [smem:$0x0];
	_ =	sdelay $0x2  }
0xb8: {  	s31 =	sshll.u32 s1, $0xD;
	s1 =	sshrl.u32 s1, $0x2  }
0xb9: {  	s3 =	sand.u32 $0x4000, s31;
	s1 =	sadd.s32 s1, s30  }
0xba: {  	s0 =	sor.u32 s3, s0;
	s1 =	sshll.u32 s1, $0x11  }
0xbb: {  	s0 =	sor.u32 s1, s0  }
0xbc: {  	s0 =	sadd.s32 $0x8F2B, s0  }
0xbd: {  	[sflag:s0] =	ssyncadd.remote.s32 $0x1  }
0xbe: {  	_ =	sfence.sel $0xFFFF  }
0xbf: {  	[dreg:$0x0] =	wrdreg $0xFFFFFFFF;
	(pc) =	sbr.abs _section_cstart, $3  }
0xc0: {  	[dreg:$0x1] =	wrdreg $0xFFFFFFFF  }
0xc1: {  	_ =	task.clear_ibuf [dreg:s7], $0x2FFFF;
	_ =	strace $0x9FFFFFFF  }
0xc2: {  	(tm) =	ssettm $0x7FFFFFFF  }
0xc3: {  	_ =	shalt  }
tec
execute0_lowered:
.L_overlay_start_1:
0x0: {  	(tag) =	ssettag $0x1  }
0x1: {  	s0 =	srdreg.scid;
	s1 =	rddreg [dreg:$0x0]  }
0x2: {  	s5 =	stileid.u32;
	s6 =	rddreg [dreg:$0x1];
	s10 =	simm.s32 $0x3  }
0x3: {  	s11 =	simm.s32 $0x80;
	s12 =	simm.s32 $0x6400;
	s13 =	simm.s32 $0x8400  }
0x4: {  	s15 =	simm.s32 $0xA400;
	s17 =	simm.s32 $0xC400;
	s19 =	simm.s32 $0xE400  }
0x5: {  	s20 =	simm.s32 $0x1;
	s22 =	simm.s32 $0x10400;
	s28 =	simm.s32 $0x400  }
0x6: {  	s0 =	sand.u32 $0x1, s0;
	s2 =	sshll.u32 s5, $0x1;
	s5 =	smul.u32 $0xC800, s5  }
0x7: {  	s4 =	sor.u32 s0, s2;
	s8 =	ssub.s32 $0x2, s0;
	s0 =	smul.u32 $0x6400, s0  }
0x8: {  	s29 =	simm.s32 $0x16400;
	s30 =	simm.s32 $0x480;
	s3 =	smul.u32 $0x6400, s4  }
0x9: {  	s31 =	simm.s32 $0x18400;
	s2 =	simm.s32 $0x0;
	s9 =	smul.u32 $0x190000, s4  }
0xa: {  	[smem:$0x7FF] =	sst s2;
	s24 =	sshrl.u32 s8, $0x1;
	s25 =	smul.u32 $0x32000, s4  }
0xb: {  	_ =	strace $0x80000047;
	s0 =	sadd.s32 s0, s5;
	s3 =	sshrl.u32 s3, $0x3  }
0xc: {  	s26 =	sshrl.u32 s9, $0x3;
	s0 =	sshll.u32 s0, $0x3;
	s5 =	sadd.s32 s6, s25  }
0xd: {  	s25 =	simm.s32 $0x380;
	s7 =	sadd.s32 s3, s1;
	s3 =	sadd.s32 $0xF42E00, s1  }
0xe: {  	s1 =	ssub.s32 s8, s24;
	s0 =	sadd.s32 s6, s0;
	s24 =	simm.s32 $0x12400  }
0xf: {  	s4 =	sadd.s32 $0xA00, s7;
	s7 =	sadd.s32 s6, s26;
	s8 =	sadd.s32 $0x1400, s0  }
0x10: {  	s9 =	sadd.s32 $0x2800, s0;
	s26 =	simm.s32 $0x14400;
	s0 =	simm.s32 $0x0  }
0x11: {  	s6 =	sadd.s32 $0x30C00, s7;
	s7 =	smax.u32 s1, $0x1;
	s1 =	simm.s32 $0x2  }
.LBB2_1:
0x12: {  	[tilespmem:s2], [sflag:$0x3] =	stream.linear.gather [hbm4b:s4+s2], $0x6400, $0x38;
	[tilespmem:$0x1A400] =	vst v63  }
0x13: {  	_ =	swait.ge [sflag:s10], $0x6400  }
0x14: {  	[sflag:s10] =	ssyncset.done $0x0  }
0x15: {  	[sflag:s10] =	ssyncadd.s32 $0xFFFF9C00  }
0x16: {  	[tilespmem:s12], [sflag:$0x1] =	stream.indirect.gather [hbm4b:s3+s11], $0x40, s2, s11, $0xb8;
	[tilespmem:$0x1A400] =	vst v63  }
0x17: {  	_ = 	snop  }
0x18: {  	[tilespmem:s13], [sflag:$0x1] =	stream.indirect.gather [hbm4b:s3+s11], $0x40, s11, s11, $0xb8;
	[tilespmem:$0x1A400] =	vst v63  }
0x19: {  	s14 =	simm.s32 $0x100  }
0x1a: {  	[tilespmem:s15], [sflag:$0x1] =	stream.indirect.gather [hbm4b:s3+s11], $0x40, s14, s11, $0xb8;
	[tilespmem:$0x1A400] =	vst v63  }
0x1b: {  	s23 =	simm.s32 $0x180  }
0x1c: {  	[tilespmem:s17], [sflag:$0x1] =	stream.indirect.gather [hbm4b:s3+s11], $0x40, s23, s11, $0xb8;
	[tilespmem:$0x1A400] =	vst v63  }
0x1d: {  	s16 =	simm.s32 $0x200  }
0x1e: {  	[tilespmem:s19], [sflag:$0x1] =	stream.indirect.gather [hbm4b:s3+s11], $0x40, s16, s11, $0xb8;
	[tilespmem:$0x1A400] =	vst v63  }
0x1f: {  	_ =	swait.ge [sflag:s20], $0x2000  }
0x20: {  	[sflag:s20] =	ssyncset.done $0x0  }
0x21: {  	[sflag:s20] =	ssyncadd.s32 $0xFFFFE000  }
0x22: {  	_ =	swait.ge [sflag:s20], $0x2000  }
0x23: {  	[sflag:s20] =	ssyncset.done $0x0  }
0x24: {  	[sflag:s20] =	ssyncadd.s32 $0xFFFFE000  }
0x25: {  	_ =	swait.ge [sflag:s20], $0x2000  }
0x26: {  	[sflag:s20] =	ssyncset.done $0x0  }
0x27: {  	[sflag:s20] =	ssyncadd.s32 $0xFFFFE000  }
0x28: {  	_ =	swait.ge [sflag:s20], $0x2000  }
0x29: {  	[sflag:s20] =	ssyncset.done $0x0  }
0x2a: {  	[sflag:s20] =	ssyncadd.s32 $0xFFFFE000  }
0x2b: {  	_ =	swait.ge [sflag:s20], $0x2000  }
0x2c: {  	[sflag:s20] =	ssyncset.done $0x0  }
0x2d: {  	[sflag:s20] =	ssyncadd.s32 $0xFFFFE000  }
0x2e: {  	[hbm4b:s5+s2] =	stream.linear.scatter [tilespmem:s12], [sflag:$0x2], $0xA000, $0x38;
	[tilespmem:$0x1A400] =	vst v63  }
0x2f: {  	s18 =	simm.s32 $0x280  }
0x30: {  	[tilespmem:s22], [sflag:$0x1] =	stream.indirect.gather [hbm4b:s3+s11], $0x40, s18, s11, $0xb8;
	[tilespmem:$0x1A400] =	vst v63  }
0x31: {  	s21 =	simm.s32 $0x300  }
0x32: {  	[tilespmem:s24], [sflag:$0x1] =	stream.indirect.gather [hbm4b:s3+s11], $0x40, s21, s11, $0xb8;
	[tilespmem:$0x1A400] =	vst v63  }
0x33: {  	_ = 	snop  }
0x34: {  	[tilespmem:s26], [sflag:$0x1] =	stream.indirect.gather [hbm4b:s3+s11], $0x40, s25, s11, $0xb8;
	[tilespmem:$0x1A400] =	vst v63  }
0x35: {  	_ = 	snop  }
0x36: {  	[tilespmem:s29], [sflag:$0x1] =	stream.indirect.gather [hbm4b:s3+s11], $0x40, s28, s11, $0xb8;
	[tilespmem:$0x1A400] =	vst v63  }
0x37: {  	_ = 	snop  }
0x38: {  	[tilespmem:s31], [sflag:$0x1] =	stream.indirect.gather [hbm4b:s3+s11], $0x40, s30, s11, $0xb8;
	[tilespmem:$0x1A400] =	vst v63  }
0x39: {  	_ =	swait.ge [sflag:s20], $0x2000  }
0x3a: {  	[sflag:s20] =	ssyncset.done $0x0  }
0x3b: {  	[sflag:s20] =	ssyncadd.s32 $0xFFFFE000  }
0x3c: {  	_ =	swait.ge [sflag:s20], $0x2000  }
0x3d: {  	[sflag:s20] =	ssyncset.done $0x0  }
0x3e: {  	[sflag:s20] =	ssyncadd.s32 $0xFFFFE000  }
0x3f: {  	_ =	swait.ge [sflag:s20], $0x2000  }
0x40: {  	[sflag:s20] =	ssyncset.done $0x0  }
0x41: {  	[sflag:s20] =	ssyncadd.s32 $0xFFFFE000  }
0x42: {  	_ =	swait.ge [sflag:s20], $0x2000  }
0x43: {  	[sflag:s20] =	ssyncset.done $0x0  }
0x44: {  	[sflag:s20] =	ssyncadd.s32 $0xFFFFE000  }
0x45: {  	_ =	swait.ge [sflag:s20], $0x2000  }
0x46: {  	[sflag:s20] =	ssyncset.done $0x0  }
0x47: {  	[sflag:s20] =	ssyncadd.s32 $0xFFFFE000  }
0x48: {  	[hbm4b:s8+s2] =	stream.linear.scatter [tilespmem:s22], [sflag:$0x2], $0xA000, $0x38;
	[tilespmem:$0x1A400] =	vst v63  }
0x49: {  	_ =	swait.ge [sflag:s1], $0xA000  }
0x4a: {  	[sflag:s1] =	ssyncset.done $0x0  }
0x4b: {  	s23 =	simm.s32 $0x500;
	[sflag:s1] =	ssyncadd.s32 $0xFFFF6000  }
0x4c: {  	[tilespmem:s12], [sflag:$0x1] =	stream.indirect.gather [hbm4b:s3+s11], $0x40, s23, s11, $0xb8;
	[tilespmem:$0x1A400] =	vst v63  }
0x4d: {  	s16 =	simm.s32 $0x580  }
0x4e: {  	[tilespmem:s13], [sflag:$0x1] =	stream.indirect.gather [hbm4b:s3+s11], $0x40, s16, s11, $0xb8;
	[tilespmem:$0x1A400] =	vst v63  }
0x4f: {  	s18 =	simm.s32 $0x600  }
0x50: {  	[tilespmem:s15], [sflag:$0x1] =	stream.indirect.gather [hbm4b:s3+s11], $0x40, s18, s11, $0xb8;
	[tilespmem:$0x1A400] =	vst v63  }
0x51: {  	s21 =	simm.s32 $0x680  }
0x52: {  	[tilespmem:s17], [sflag:$0x1] =	stream.indirect.gather [hbm4b:s3+s11], $0x40, s21, s11, $0xb8;
	[tilespmem:$0x1A400] =	vst v63  }
0x53: {  	s23 =	simm.s32 $0x700  }
0x54: {  	[tilespmem:s19], [sflag:$0x1] =	stream.indirect.gather [hbm4b:s3+s11], $0x40, s23, s11, $0xb8;
	[tilespmem:$0x1A400] =	vst v63  }
0x55: {  	_ =	swait.ge [sflag:s20], $0x2000  }
0x56: {  	[sflag:s20] =	ssyncset.done $0x0  }
0x57: {  	[sflag:s20] =	ssyncadd.s32 $0xFFFFE000  }
0x58: {  	_ =	swait.ge [sflag:s20], $0x2000  }
0x59: {  	[sflag:s20] =	ssyncset.done $0x0  }
0x5a: {  	[sflag:s20] =	ssyncadd.s32 $0xFFFFE000  }
0x5b: {  	_ =	swait.ge [sflag:s20], $0x2000  }
0x5c: {  	[sflag:s20] =	ssyncset.done $0x0  }
0x5d: {  	[sflag:s20] =	ssyncadd.s32 $0xFFFFE000  }
0x5e: {  	_ =	swait.ge [sflag:s20], $0x2000  }
0x5f: {  	[sflag:s20] =	ssyncset.done $0x0  }
0x60: {  	[sflag:s20] =	ssyncadd.s32 $0xFFFFE000  }
0x61: {  	_ =	swait.ge [sflag:s20], $0x2000  }
0x62: {  	[sflag:s20] =	ssyncset.done $0x0  }
0x63: {  	[sflag:s20] =	ssyncadd.s32 $0xFFFFE000  }
0x64: {  	[hbm4b:s9+s2] =	stream.linear.scatter [tilespmem:s12], [sflag:$0x2], $0xA000, $0x38;
	[tilespmem:$0x1A400] =	vst v63  }
0x65: {  	_ =	swait.ge [sflag:s1], $0xA000  }
0x66: {  	[sflag:s1] =	ssyncset.done $0x0  }
0x67: {  	s16 =	simm.s32 $0x780;
	[sflag:s1] =	ssyncadd.s32 $0xFFFF6000  }
0x68: {  	[tilespmem:s22], [sflag:$0x1] =	stream.indirect.gather [hbm4b:s3+s11], $0x40, s16, s11, $0xb8;
	[tilespmem:$0x1A400] =	vst v63  }
0x69: {  	s18 =	simm.s32 $0x800  }
0x6a: {  	[tilespmem:s24], [sflag:$0x1] =	stream.indirect.gather [hbm4b:s3+s11], $0x40, s18, s11, $0xb8;
	[tilespmem:$0x1A400] =	vst v63  }
0x6b: {  	s14 =	simm.s32 $0x1400;
	s21 =	simm.s32 $0x880;
	s23 =	simm.s32 $0x900  }
0x6c: {  	[tilespmem:s26], [sflag:$0x1] =	stream.indirect.gather [hbm4b:s3+s11], $0x40, s21, s11, $0xb8;
	[tilespmem:$0x1A400] =	vst v63  }
0x6d: {  	s16 =	sadd.s32 $0x2800, s8;
	s18 =	sadd.s32 $0x2800, s9;
	s21 =	simm.s32 $0x980  }
0x6e: {  	[tilespmem:s29], [sflag:$0x1] =	stream.indirect.gather [hbm4b:s3+s11], $0x40, s23, s11, $0xb8;
	[tilespmem:$0x1A400] =	vst v63  }
.LBB2_2:
0x6f: {  	[tilespmem:s31], [sflag:$0x1] =	stream.indirect.gather [hbm4b:s3+s11], $0x40, s21, s11, $0xb8;
	[tilespmem:$0x1A400] =	vst v63  }
0x70: {  	s21 =	smov.u32 s14  }
0x71: {  	p0 =	sne.s32 s14, $0x16800;
	s14 =	sadd.s32 $0x1400, s14;
	_ =	swait.ge [sflag:s20], $0x2000  }
0x72: {  	[sflag:s20] =	ssyncset.done $0x0  }
0x73: {  	[sflag:s20] =	ssyncadd.s32 $0xFFFFE000  }
0x74: {  	_ =	swait.ge [sflag:s20], $0x2000  }
0x75: {  	[sflag:s20] =	ssyncset.done $0x0  }
0x76: {  	[sflag:s20] =	ssyncadd.s32 $0xFFFFE000  }
0x77: {  	_ =	swait.ge [sflag:s20], $0x2000  }
0x78: {  	[sflag:s20] =	ssyncset.done $0x0  }
0x79: {  	[sflag:s20] =	ssyncadd.s32 $0xFFFFE000  }
0x7a: {  	_ =	swait.ge [sflag:s20], $0x2000  }
0x7b: {  	[sflag:s20] =	ssyncset.done $0x0  }
0x7c: {  	[sflag:s20] =	ssyncadd.s32 $0xFFFFE000  }
0x7d: {  	_ =	swait.ge [sflag:s20], $0x2000  }
0x7e: {  	[sflag:s20] =	ssyncset.done $0x0  }
0x7f: {  	[sflag:s20] =	ssyncadd.s32 $0xFFFFE000  }
0x80: {  	[hbm4b:s16+s2] =	stream.linear.scatter [tilespmem:s22], [sflag:$0x2], $0xA000, $0x38;
	[tilespmem:$0x1A400] =	vst v63  }
0x81: {  	_ =	swait.ge [sflag:s1], $0xA000  }
0x82: {  	s21 =	sshra.s32 s21, $0x2;
	[sflag:s1] =	ssyncset.done $0x0  }
0x83: {  	s23 =	sadd.s32 $0x500, s21;
	[sflag:s1] =	ssyncadd.s32 $0xFFFF6000  }
0x84: {  	[tilespmem:s12], [sflag:$0x1] =	stream.indirect.gather [hbm4b:s3+s11], $0x40, s23, s11, $0xb8;
	[tilespmem:$0x1A400] =	vst v63  }
0x85: {  	s23 =	sadd.s32 $0x580, s21  }
0x86: {  	[tilespmem:s13], [sflag:$0x1] =	stream.indirect.gather [hbm4b:s3+s11], $0x40, s23, s11, $0xb8;
	[tilespmem:$0x1A400] =	vst v63  }
0x87: {  	s23 =	sadd.s32 $0x600, s21  }
0x88: {  	[tilespmem:s15], [sflag:$0x1] =	stream.indirect.gather [hbm4b:s3+s11], $0x40, s23, s11, $0xb8;
	[tilespmem:$0x1A400] =	vst v63  }
0x89: {  	s23 =	sadd.s32 $0x680, s21  }
0x8a: {  	[tilespmem:s17], [sflag:$0x1] =	stream.indirect.gather [hbm4b:s3+s11], $0x40, s23, s11, $0xb8;
	[tilespmem:$0x1A400] =	vst v63  }
0x8b: {  	s23 =	sadd.s32 $0x700, s21  }
0x8c: {  	[tilespmem:s19], [sflag:$0x1] =	stream.indirect.gather [hbm4b:s3+s11], $0x40, s23, s11, $0xb8;
	[tilespmem:$0x1A400] =	vst v63  }
0x8d: {  	_ =	swait.ge [sflag:s20], $0x2000  }
0x8e: {  	[sflag:s20] =	ssyncset.done $0x0  }
0x8f: {  	[sflag:s20] =	ssyncadd.s32 $0xFFFFE000  }
0x90: {  	_ =	swait.ge [sflag:s20], $0x2000  }
0x91: {  	[sflag:s20] =	ssyncset.done $0x0  }
0x92: {  	[sflag:s20] =	ssyncadd.s32 $0xFFFFE000  }
0x93: {  	_ =	swait.ge [sflag:s20], $0x2000  }
0x94: {  	[sflag:s20] =	ssyncset.done $0x0  }
0x95: {  	[sflag:s20] =	ssyncadd.s32 $0xFFFFE000  }
0x96: {  	_ =	swait.ge [sflag:s20], $0x2000  }
0x97: {  	[sflag:s20] =	ssyncset.done $0x0  }
0x98: {  	[sflag:s20] =	ssyncadd.s32 $0xFFFFE000  }
0x99: {  	_ =	swait.ge [sflag:s20], $0x2000  }
0x9a: {  	[sflag:s20] =	ssyncset.done $0x0  }
0x9b: {  	[sflag:s20] =	ssyncadd.s32 $0xFFFFE000  }
0x9c: {  	[hbm4b:s18+s2] =	stream.linear.scatter [tilespmem:s12], [sflag:$0x2], $0xA000, $0x38;
	[tilespmem:$0x1A400] =	vst v63  }
0x9d: {  	_ =	swait.ge [sflag:s1], $0xA000  }
0x9e: {  	[sflag:s1] =	ssyncset.done $0x0  }
0x9f: {  	s23 =	sadd.s32 $0x780, s21;
	[sflag:s1] =	ssyncadd.s32 $0xFFFF6000  }
0xa0: {  	[tilespmem:s22], [sflag:$0x1] =	stream.indirect.gather [hbm4b:s3+s11], $0x40, s23, s11, $0xb8;
	[tilespmem:$0x1A400] =	vst v63  }
0xa1: {  	s23 =	sadd.s32 $0x800, s21  }
0xa2: {  	[tilespmem:s24], [sflag:$0x1] =	stream.indirect.gather [hbm4b:s3+s11], $0x40, s23, s11, $0xb8;
	[tilespmem:$0x1A400] =	vst v63  }
.Ltmp0:
0xa3: {  	s23 =	sadd.s32 $0x880, s21;
	(pc) =	sbr.rel @p0 .LBB2_2-.Ltmp0, $4  }
0xa4: {  	[tilespmem:s26], [sflag:$0x1] =	stream.indirect.gather [hbm4b:s3+s11], $0x40, s23, s11, $0xb8;
	[tilespmem:$0x1A400] =	vst v63  }
0xa5: {  	s23 =	sadd.s32 $0x900, s21  }
0xa6: {  	[tilespmem:s29], [sflag:$0x1] =	stream.indirect.gather [hbm4b:s3+s11], $0x40, s23, s11, $0xb8;
	[tilespmem:$0x1A400] =	vst v63  }
0xa7: {  	s16 =	sadd.s32 $0x2800, s16;
	s18 =	sadd.s32 $0x2800, s18;
	s21 =	sadd.s32 $0x980, s21  }
0xa8: {  	[tilespmem:s31], [sflag:$0x1] =	stream.indirect.gather [hbm4b:s3+s11], $0x40, s21, s11, $0xb8;
	[tilespmem:$0x1A400] =	vst v63  }
0xa9: {  	_ =	swait.ge [sflag:s20], $0x2000  }
0xaa: {  	[sflag:s20] =	ssyncset.done $0x0  }
0xab: {  	[sflag:s20] =	ssyncadd.s32 $0xFFFFE000  }
0xac: {  	_ =	swait.ge [sflag:s20], $0x2000  }
0xad: {  	[sflag:s20] =	ssyncset.done $0x0  }
0xae: {  	[sflag:s20] =	ssyncadd.s32 $0xFFFFE000  }
0xaf: {  	_ =	swait.ge [sflag:s20], $0x2000  }
0xb0: {  	[sflag:s20] =	ssyncset.done $0x0  }
0xb1: {  	[sflag:s20] =	ssyncadd.s32 $0xFFFFE000  }
0xb2: {  	_ =	swait.ge [sflag:s20], $0x2000  }
0xb3: {  	[sflag:s20] =	ssyncset.done $0x0  }
0xb4: {  	[sflag:s20] =	ssyncadd.s32 $0xFFFFE000  }
0xb5: {  	_ =	swait.ge [sflag:s20], $0x2000  }
0xb6: {  	[sflag:s20] =	ssyncset.done $0x0  }
0xb7: {  	s0 =	sadd.s32 $0x1, s0;
	[sflag:s20] =	ssyncadd.s32 $0xFFFFE000  }
0xb8: {  	[hbm4b:s6+s2] =	stream.linear.scatter [tilespmem:s22], [sflag:$0x2], $0xA000, $0x38;
	[tilespmem:$0x1A400] =	vst v63  }
0xb9: {  	p0 =	sne.s32 s0, s7;
	_ =	swait.ge [sflag:s1], $0xA000  }
.Ltmp1:
0xba: {  	[sflag:s1] =	ssyncset.done $0x0;
	(pc) =	sbr.rel @p0 .LBB2_1-.Ltmp1, $4  }
0xbb: {  	[sflag:s1] =	ssyncadd.s32 $0xFFFF6000  }
0xbc: {  	_ =	swait.ge [sflag:s1], $0xA000  }
0xbd: {  	[sflag:s1] =	ssyncset.done $0x0  }
0xbe: {  	[sflag:s1] =	ssyncadd.s32 $0xFFFF6000  }
0xbf: {  	_ =	sfence.sel $0x180000  }
0xc0: {  	[bflag:$0x0] =	sbarrier.arrive $0xFFFF  }
0xc1: {  	_ =	strace $0x90000047  }
0xc2: {  	s0 =	stileid.u32;
	[bflag:$0x2] =	sbarrier.arrive $0xFFFF  }
0xc3: {  	p0 =	sne.s32 s0, $0x0;
	s0 =	rddreg [dreg:$0x2]  }
0xc4: {  	s0 =	sadd.s32 @!p0 $0x100000, s0  }
0xc5: {  	[sflag:s0] =	ssyncadd.tile.s32 @!p0 $0x1;
	_ =	shalt  }
.Lfunc_end2:
_tile_overlayer_lowered:
.L_overlay_start_2:
0xc6: {  	(tag) =	ssettag $0x2  }
0xc7: {  	s0 =	rddreg [dreg:$0x0];
	s2 =	stileid.u32  }
0xc8: {  	s1 =	rddreg [dreg:$0x1];
	p0 =	sne.s32 s2, $0x0  }
0xc9: {  	s3 =	rddreg [dreg:$0x2];
	[bflag:$0x3] =	sbarrier.arrive $0xFFFF;
	s2 =	simm.s32 @!p0 $0x1C03  }
0xca: {  	[timem:s3], [sflag:s2] =	dma.local @!p0 [hbm:s0], s1  }
0xcb: {  	s0 =	simm.s32 @!p0 $0x3  }
0xcc: {  	_ =	swait.ge @!p0 [sflag:s0], s1  }
0xcd: {  	s1 =	ssub.s32 @!p0 $0x0, s1;
	[sflag:s0] =	ssyncset.done @!p0 $0x0  }
0xce: {  	[sflag:s0] =	ssyncadd.s32 @!p0 s1  }
0xcf: {  	[bflag:$0x3] =	sbarrier.arrive $0xFFFF  }
0xd0: {  	_ =	shalt  }

// kernel: sparse-core-data-format-call.cloned.1.call-start
scs
called_computation_lowered:
.L_overlay_start_0:
0x0: {  	s2 =	sld [smem:$0x3FD9]  }
0x1: {  	s3 =	sld [smem:$0x3FFE];
	_ =	sdelay $0x1  }
0x2: {  	s1 =	srdreg.scid  }
0x3: {  	s0 =	sand.u32 $0x1, s1  }
0x4: {  	s18 =	sshll.u32 s0, $0xA;
	s2 =	sadd.s32 s3, s2  }
0x5: {  	s2 =	sadd.s32 s2, s18  }
0x6: {  	[smem:$0x3FC6] =	sst s2  }
0x7: {  	_ = 	snop  }
0x8: {  	s2 =	sld [smem:$0x3FD0];
	(tm) =	ssettm $0x1  }
0x9: {  	s19 =	sld [smem:$0x3FFB];
	_ =	sdelay $0x3  }
0xa: {  	_ =	strace s19  }
0xb: {  	s3 =	sld [smem:$0x3FFC];
	_ =	sdelay $0x3  }
0xc: {  	_ =	strace s3  }
0xd: {  	s3 =	sld [smem:$0x3FFD];
	_ =	sdelay $0x3  }
0xe: {  	_ =	strace s3  }
0xf: {  	_ =	strace $0x8FFFFFFF  }
0x10: {  	s20 =	sld [smem:$0x3FDB];
	_ =	sdelay $0x1  }
0x11: {  	s4 =	simm.s32 $_scs_section_size  }
0x12: {  	s5 =	simm.s32 $_size__tile_overlayer_lowered;
	s6 =	simm.s32 $_tile_overlayer_lowered  }
0x13: {  	s23 =	simm.s32 $0x1BFF;
	s22 =	sshll.u32 s6, $0x1;
	s3 =	sadd.s32 s4, s20  }
0x14: {  	s7 =	simm.s32 $0x0;
	s21 =	sshll.u32 s5, $0x1;
	s5 =	sadd.s32 s22, s3  }
0x15: {  	[timem:s7], [sflag:s23] =	dma.local [hbm:s5], s21  }
0x16: {  	_ =	swait.ge [sflag:s23], s21  }
0x17: {  	s4 =	ssub.s32 $0x0, s21;
	[sflag:s23] =	ssyncset.done $0x0  }
0x18: {  	[sflag:s23] =	ssyncadd.s32 s4;
	_ =	sdelay $0x1  }
0x19: {  	s24 =	simm.s32 $0x1B8B  }
0x1a: {  	_ =	swait.ge [sflag:s24], $0x1  }
0x1b: {  	[sflag:s24] =	ssyncset.done $0x0  }
0x1c: {  	s26 =	simm.s32 $0x1B8E;
	s25 =	sld [smem:$0x3FFE];
	[sflag:s24] =	ssyncadd.s32 $0xFFFFFFFF  }
0x1d: {  	s27 =	simm.s32 $execute0_lowered;
	[smem:$0x3FD2] =	sst s26  }
0x1e: {  	s5 =	sshll.u32 s27, $0x1;
	_ =	strace $0x80000049;
	[dreg:$0x1] =	wrdreg $0xFFFFFFFF  }
0x1f: {  	s28 =	simm.s32 $_size_execute0_lowered;
	s3 =	sadd.s32 s3, s5;
	[dreg:$0x0] =	wrdreg $0x0  }
0x20: {  	s5 =	sshll.u32 s28, $0x1;
	[dreg:$0x2] =	wrdreg s3  }
0x21: {  	[dreg:$0x3] =	wrdreg s5  }
0x22: {  	[dreg:$0x4] =	wrdreg $0xC0  }
0x23: {  	_ =	task [dreg:s7], $0x5FFFF  }
0x24: {  	[dreg:$0x1] =	wrdreg $0xFFFFFFFF  }
0x25: {  	[dreg:$0x0] =	wrdreg $0x60  }
0x26: {  	[dreg:$0x2] =	wrdreg s25  }
0x27: {  	[dreg:$0x3] =	wrdreg s2  }
0x28: {  	[dreg:$0x4] =	wrdreg $0x9  }
0x29: {  	_ =	task.clear_ibuf [dreg:s7], $0x5FFFF;
	_ =	strace $0x90000049  }
0x2a: {  	s29 =	simm.s32 $0x9;
	_ =	strace $0x8000004B  }
0x2b: {  	_ =	swait.ge [sflag:s29], $0x1  }
0x2c: {  	[sflag:s29] =	ssyncadd.s32 $0xFFFFFFFF  }
0x2d: {  	_ =	strace $0x9000004B  }
0x2e: {  	_ =	sfence  }
0x2f: {  	s30 =	sld [smem:$0x0];
	_ =	sdelay $0x2  }
0x30: {  	s31 =	sshll.u32 s1, $0xD;
	s1 =	sshrl.u32 s1, $0x2  }
0x31: {  	s3 =	sand.u32 $0x4000, s31;
	s1 =	sadd.s32 s1, s30  }
0x32: {  	s0 =	sor.u32 s3, s0;
	s1 =	sshll.u32 s1, $0x11  }
0x33: {  	s0 =	sor.u32 s1, s0  }
0x34: {  	s0 =	sadd.s32 $0x8F2B, s0  }
0x35: {  	[sflag:s0] =	ssyncadd.remote.s32 $0x1  }
0x36: {  	_ =	sfence.sel $0xFFFF  }
0x37: {  	[dreg:$0x0] =	wrdreg $0xFFFFFFFF;
	(pc) =	sbr.abs _section_cstart, $3  }
0x38: {  	[dreg:$0x1] =	wrdreg $0xFFFFFFFF  }
0x39: {  	_ =	task.clear_ibuf [dreg:s7], $0x2FFFF;
	_ =	strace $0x9FFFFFFF  }
0x3a: {  	(tm) =	ssettm $0x7FFFFFFF  }
0x3b: {  	_ =	shalt  }
tec
execute0_lowered:
.L_overlay_start_1:
0x0: {  	(tag) =	ssettag $0x1  }
0x1: {  	s0 =	srdreg.scid  }
0x2: {  	s1 =	sshll.u32 s0, $0x4  }
0x3: {  	s0 =	stileid.u32;
	s1 =	sand.u32 $0x10, s1  }
0x4: {  	s1 =	sor.u32 s0, s1  }
0x5: {  	s6 =	rddreg [dreg:$0x0];
	s4 =	simm.s32 $0x1;
	s2 =	sshll.u32 s1, $0x7  }
0x6: {  	s7 =	simm.s32 $0x2;
	s12 =	simm.s32 $0x0;
	s1 =	ssub.s32 $0x4000, s2  }
0x7: {  	s8 =	simm.s32 $0x20000;
	s13 =	simm.s32 $0x0;
	s3 =	sand.u32 $0xF80, s1  }
0x8: {  	s9 =	simm.s32 $0x0;
	s5 =	sshrl.u32 s1, $0xC;
	p0 =	sne.s32 s3, $0x0  }
.Ltmp0:
0x9: {  	s1 =	rddreg [dreg:$0x2];
	s4 =	simm.s32 @!p0 $0x0;
	(pc) =	sbr.rel .LBB1_1-.Ltmp0, $4  }
0xa: {  	s11 =	simm.s32 $0x0;
	s3 =	rddreg [dreg:$0x1];
	s5 =	sadd.s32 s4, s5  }
0xb: {  	_ =	strace $0x8000004A;
	s4 =	simm.s32 $0x1;
	s5 =	smul.u32 $0x32, s5  }
0xc: {  	s6 =	sadd.s32 $0xA00, s6;
	s10 =	smov.u32 s2;
	[sflag:s4] =	ssyncpa.u1 $0x0  }
0xd: {  	p0 =	por $0x0, $0x0;
	[sflag:s7] =	ssyncpa.u1 $0x0;
	s7 =	sor.u32 $0x1, s5  }
.LBB1_4:
0xe: {  	s16 =	sshll.u32 s13, $0x3;
	s17 =	sand.u32 $0x78, s13  }
0xf: {  	s30 =	sand.u32 $0x1F800, s13;
	s12 =	sshll.u32 s12, $0x11;
	s16 =	sand.u32 $0x3C00, s16  }
0x10: {  	[tilespmem:s15+$0x810 ss:$0x81] =	vst.msk $0xffff, v2;
	s31 =	sand.u32 $0x7, s13;
	s16 =	sor.u32 s17, s16;
	s17 =	sadd.s32 s3, s30  }
0x11: {  	[tilespmem:s15+$0x1020 ss:$0x81] =	vst.msk $0xffff, v0;
	s13 =	sshll.u32 s31, $0x12;
	s12 =	sadd.s32 s12, s17;
	s16 =	sshrl.u32 s16, $0x3  }
0x12: {  	[tilespmem:s15+$0x0 ss:$0x81] =	vst.msk $0xffff, v1;
	s13 =	sor.u32 $0x400, s13;
	s12 =	sadd.s32 s16, s12  }
0x13: {  	[hbm4b:s12+s13] =	stream.strided.scatter [tilespmem:s14], [sflag:$0x2], $0x2000, s8, s13, $0x20;
	[tilespmem:$0x8080] =	vst v63  }
.LBB1_5:
0x14: {  	s14 =	sadd.s32 $0x1, s9  }
0x15: {  	s12 =	sadd.s32 $0x1000, s10;
	s16 =	smov.u32 s10;
	p2 =	sgt.s32 s14, $0x31  }
0x16: {  	s16 =	smov.u32 @p2 s12  }
0x17: {  	s14 =	simm.s32 @p2 $0x0;
	p2 =	sgt.s32 s16, $0x3FFF  }
0x18: {  	s16 =	smov.u32 @p2 s2;
	p2 =	sne.s32 s11, s7  }
.Ltmp1:
0x19: {  	p1 =	slt.u32 s11, $0x2;
	(pc) =	sbr.rel @!p2 .LBB1_6-.Ltmp1, $4  }
0x1a: {  	s15 =	simm.s32 @!p1 $0x2  }
0x1b: {  	s13 =	smov.u32 s10;
	p0 =	por !p0, !p0;
	_ =	swait.ge @!p1 [sflag:s15], $0x2000  }
0x1c: {  	s12 =	smov.u32 s9;
	[sflag:s15] =	ssyncset.done @!p1 $0x0;
	s9 =	smov.u32 s14  }
0x1d: {  	s11 =	sadd.s32 $0x1, s11;
	[sflag:s15] =	ssyncadd.s32 @!p1 $0xFFFFE000;
	s10 =	smov.u32 s16  }
.LBB1_1:
0x1e: {  	p1 =	sge.u32 s11, s5  }
0x1f: {  	s14 =	sand.u32 @!p1 $0x1FFFFFF, s9  }
0x20: {  	s15 =	smulhi.u32 @!p1 $0x4924925, s14;
	_ =	sdelay $0x1  }
0x21: {  	s15 =	smul.u32 @!p1 $0x38, s15  }
0x22: {  	s16 =	sxor.u32 @!p1 $0xFFFFFFFF, s11;
	s17 =	smul.u32 @!p1 $0x380, s10  }
0x23: {  	s31 =	sadd.s32 $0xFFFFFFFF, s11;
	s16 =	sshll.u32 @!p1 s16, $0xD;
	s14 =	ssub.s32 @!p1 s14, s15  }
0x24: {  	s15 =	sand.u32 @!p1 $0x2000, s16;
	s16 =	sadd.s32 @!p1 s6, s17;
	s14 =	sshll.u32 @!p1 s14, $0x4  }
0x25: {  	s17 =	simm.s32 @!p1 $0x1C00;
	s14 =	sadd.s32 @!p1 s14, s16;
	s16 =	simm.s32 @!p1 $0x40  }
0x26: {  	[tilespmem:s15], [sflag:$0x1] =	stream.strided.gather @!p1 [hbm4b:s14+s16], $0x2000, s17, s16, $0x38;
	[tilespmem:$0x8080] =	vst v63  }
0x27: {  	p1 =	sge.u32 s31, s5  }
.Ltmp2:
0x28: {  	_ = 	snop;
	(pc) =	sbr.rel @p1 .LBB1_5-.Ltmp2, $1  }
0x29: {  	_ =	sdelay $0x3  }
0x2a: {  	s14 =	simm.s32 $0x1  }
0x2b: {  	_ =	swait.ge [sflag:s4], $0x2000;
	s14 =	simm.s32 @!p0 $0x0  }
0x2c: {  	[sflag:s4] =	ssyncset.done $0x0;
	s15 =	sshll.u32 s14, $0xD  }
0x2d: {  	[sflag:s4] =	ssyncadd.s32 $0xFFFFE000;
	s18 =	sor.u32 $0x20, s15  }
0x2e: {  	s14 =	smul.u32 $0x8100, s14;
	v3 =	vld [tilespmem:s18+$0x10]  }
0x2f: {  	s30 =	sand.u32 $0x1, s11;
	v2 =	vld [tilespmem:s18+$0xFFFFFFF0]  }
0x30: {  	s15 =	smul.u32 $0x8100, s30;
	s14 =	sshrl.u32 s14, $0x2;
	v0 =	vld [tilespmem:s18+$0x0]  }
0x31: {  	v1 =	vld [tilespmem:s18+$0xFFFFFFE0];
	s16 =	sor.u32 $0x4000, s14  }
0x32: {  	s31 =	sshrl.u32 s15, $0x2;
	s15 =	sadd.s32 $0x0, s16  }
0x33: {  	s17 =	simm.s32 $0x4;
	s18 =	sadd.s32 $0x40, s18;
	s14 =	sor.u32 $0x4000, s31;
	[tilespmem:s15+$0x1830 ss:$0x81] =	vst.msk $0xffff, v3  }
.LBB1_3:
0x34: {  	v3 =	vld [tilespmem:s18+$0x10];
	p1 =	sne.s32 s17, $0x1FC;
	[tilespmem:s15+$0x810 ss:$0x81] =	vst.msk $0xffff, v2;
	s19 =	smov.u32 s17;
	s17 =	sadd.s32 $0x4, s17  }
.Ltmp3:
0x35: {  	v2 =	vld [tilespmem:s18+$0xFFFFFFF0];
	[tilespmem:s15+$0x1020 ss:$0x81] =	vst.msk $0xffff, v0;
	(pc) =	sbr.rel @p1 .LBB1_3-.Ltmp3, $4  }
0x36: {  	v0 =	vld [tilespmem:s18+$0x0];
	[tilespmem:s15+$0x0 ss:$0x81] =	vst.msk $0xffff, v1  }
0x37: {  	s15 =	sshra.s32 s19, $0x2;
	v1 =	vld [tilespmem:s18+$0xFFFFFFE0]  }
0x38: {  	s15 =	sadd.s32 s15, s16  }
0x39: {  	s18 =	sadd.s32 $0x40, s18;
	[tilespmem:s15+$0x1830 ss:$0x81] =	vst.msk $0xffff, v3  }
.Ltmp4:
0x3a: {  	_ = 	snop;
	(pc) =	sbr.rel .LBB1_4-.Ltmp4, $1  }
0x3b: {  	_ =	sdelay $0x3  }
.LBB1_6:
0x3c: {  	_ =	sfence.sel $0x180000  }
0x3d: {  	s2 =	simm.s32 $0x1;
	[bflag:$0x0] =	sbarrier.arrive $0xFFFF  }
0x3e: {  	s31 =	simm.s32 $0x2;
	[sflag:s2] =	ssyncpa.u1 $0x1  }
0x3f: {  	[sflag:s31] =	ssyncpa.u1 $0x1  }
0x40: {  	p0 =	sne.s32 s0, $0x0;
	_ =	strace $0x9000004A  }
0x41: {  	s0 =	sadd.s32 @!p0 $0x100000, s1;
	[bflag:$0x2] =	sbarrier.arrive $0xFFFF  }
0x42: {  	[sflag:s0] =	ssyncadd.tile.s32 @!p0 $0x1;
	_ =	shalt  }
.Lfunc_end1:
_tile_overlayer_lowered:
.L_overlay_start_2:
0x43: {  	(tag) =	ssettag $0x2  }
0x44: {  	s0 =	rddreg [dreg:$0x0];
	s2 =	stileid.u32  }
0x45: {  	s1 =	rddreg [dreg:$0x1];
	p0 =	sne.s32 s2, $0x0  }
0x46: {  	s3 =	rddreg [dreg:$0x2];
	[bflag:$0x3] =	sbarrier.arrive $0xFFFF;
	s2 =	simm.s32 @!p0 $0x1C01  }
0x47: {  	[timem:s3], [sflag:s2] =	dma.local @!p0 [hbm:s0], s1  }
0x48: {  	s0 =	simm.s32 @!p0 $0x1  }
0x49: {  	_ =	swait.ge @!p0 [sflag:s0], s1  }
0x4a: {  	s1 =	ssub.s32 @!p0 $0x0, s1;
	[sflag:s0] =	ssyncset.done @!p0 $0x0  }
0x4b: {  	[sflag:s0] =	ssyncadd.s32 @!p0 s1  }
0x4c: {  	[bflag:$0x3] =	sbarrier.arrive $0xFFFF  }
0x4d: {  	_ =	shalt  }

</sc_bundles>
